<compile_context>
chip_gen: v7x
topology: tpu7x:2x2x1
jax: 0.10.2.dev20260603
libtpu: 0.0.44.dev20260713+nightly
codegen_flags: <defaults>
</compile_context>

<pallas_src>
import jax
import jax.numpy as jnp
from jax import lax
from jax.experimental import pallas as pl
from jax.experimental.pallas import tpu as pltpu
from jax.experimental.pallas import tpu_sc as plsc

B, V, D, C = 16384, 1000000, 64, 128
BLK = 1024
NW = 32
BPW = B // NW
RPW = V // NW
CH = 128
NCH = B // CH
BIG = 0x7F000000
CROWS = 125
NCPI = RPW // CROWS



def _compute_body(emb_ref, ctx_ref, wc_ref, bc_ref, wd_ref, bd_ref, out_ref):
    emb = emb_ref[...]
    ctx = ctx_ref[...]
    ctx_t = jax.nn.sigmoid(
        jnp.dot(ctx, wc_ref[...], preferred_element_type=jnp.float32) + bc_ref[...]
    )
    pre = jnp.dot(emb, wd_ref[...], preferred_element_type=jnp.float32) + bd_ref[...]
    delta = jax.nn.sigmoid(pre * ctx_t)
    upd = delta * emb + (1.0 - delta) * ctx_t
    denom = jnp.maximum(jnp.sqrt(jnp.sum(upd * upd, axis=-1, keepdims=True)), 1e-12)
    out_ref[...] = upd / denom


def _tc_compute(emb, context, W_ctx, b_ctx, W_delta, b_delta):
    return pl.pallas_call(
        _compute_body,
        grid=(B // BLK,),
        in_specs=[
            pl.BlockSpec((BLK, D), lambda i: (i, 0)),
            pl.BlockSpec((BLK, C), lambda i: (i, 0)),
            pl.BlockSpec((C, D), lambda i: (0, 0)),
            pl.BlockSpec((1, D), lambda i: (0, 0)),
            pl.BlockSpec((D, D), lambda i: (0, 0)),
            pl.BlockSpec((1, D), lambda i: (0, 0)),
        ],
        out_specs=pl.BlockSpec((BLK, D), lambda i: (i, 0)),
        out_shape=jax.ShapeDtypeStruct((B, D), jnp.float32),
    )(emb, context, W_ctx, b_ctx.reshape(1, D), W_delta, b_delta.reshape(1, D))



def _sc_gather_body(table_hbm, idx_hbm, out_hbm, idx_v, rows_v, sem):
    wid = lax.axis_index("s") * 2 + lax.axis_index("c")
    base = wid * BPW
    pltpu.sync_copy(idx_hbm.at[pl.ds(base, BPW)], idx_v)
    pltpu.async_copy(table_hbm.at[idx_v], rows_v, sem).wait()
    pltpu.sync_copy(rows_v, out_hbm.at[pl.ds(base, BPW)])


def _sc_gather(table, idx):
    mesh = plsc.VectorSubcoreMesh(core_axis_name="c", subcore_axis_name="s")
    return pl.kernel(
        _sc_gather_body,
        out_type=jax.ShapeDtypeStruct((B, D), jnp.float32),
        mesh=mesh,
        compiler_params=pltpu.CompilerParams(use_tc_tiling_on_sc=False, needs_layout_passes=False),
        scratch_types=[
            pltpu.VMEM((BPW,), jnp.int32),
            pltpu.VMEM((BPW, D), jnp.float32),
            pltpu.SemaphoreType.DMA,
        ],
    )(table, idx)



def _sc_scatter_body(table_hbm, out_hbm, idx_hbm, tnew_hbm,
                     idx_v, lwin_v, sif_v, si2_v, sw2_v, rowbuf, nb_v,
                     cbuf0, cbuf1, isem0, isem1, osem0, osem1, dsem):
    sid = lax.axis_index("s")
    wid = sid * 2 + lax.axis_index("c")
    lo = wid * RPW

    slots = (cbuf0.at[sid], cbuf1.at[sid])
    isems = (isem0, isem1)
    osems = (osem0, osem1)

    def src_chunk(i):
        return table_hbm.at[pl.ds(lo + i * CROWS, CROWS)]

    def dst_chunk(i):
        return tnew_hbm.at[pl.ds(lo + i * CROWS, CROWS)]

    pltpu.async_copy(src_chunk(0), slots[0], isems[0])
    pltpu.async_copy(src_chunk(1), slots[1], isems[1])

    pltpu.sync_copy(idx_hbm, idx_v)

    lanes = lax.iota(jnp.int32, 16)
    zeros16 = jnp.zeros((16,), jnp.int32)

    def scan_chunk(t, offv):
        bvec = t * 16 + lanes
        iv = idx_v[pl.ds(t * 16, 16)]
        own = (iv >= lo) & (iv < lo + RPW)
        comp = jnp.where(own, (iv - lo) * 16 + lanes, BIG)
        ck, cv = plsc.sort_key_val(comp, bvec)
        nb_v[...] = ck
        nxt = plsc.load_gather(nb_v, [jnp.minimum(lanes + 1, 15)])
        owns = ck < BIG
        keyid = lax.shift_right_logical(ck, 4)
        win = owns & (
            (lanes == 15) | (lax.shift_right_logical(nxt, 4) != keyid)
        )
        tgt = jnp.where(win, keyid, 0)
        plsc.store_scatter(lwin_v, [tgt], cv, mask=win)
        pos = offv + plsc.cumsum(win.astype(jnp.int32)) - 1
        posc = jnp.where(win, pos, 0)
        sidx = jnp.where(win, keyid + lo, 0)
        plsc.store_scatter(sif_v, [posc], sidx, mask=win)
        plsc.store_scatter(
            si2_v,
            [lax.shift_right_logical(posc, 7), posc & (CH - 1)],
            sidx,
            mask=win,
        )
        return offv + plsc.all_reduce_population_count(win)

    NSC = B // 16
    SPB = -(-NSC // NCPI)

    def copy_pair(kk, offv):
        for b in range(2):
            i = kk * 2 + b
            pltpu.make_async_copy(src_chunk(i), slots[b], isems[b]).wait()
            pltpu.async_copy(slots[b], dst_chunk(i), osems[b])
            t0 = jnp.minimum(i * SPB, NSC)
            t1 = jnp.minimum((i + 1) * SPB, NSC)
            offv = lax.fori_loop(t0, t1, scan_chunk, offv)
            pltpu.make_async_copy(slots[b], dst_chunk(i), osems[b]).wait()

            @pl.when(i + 2 < NCPI)
            def _():
                pltpu.async_copy(src_chunk(i + 2), slots[b], isems[b])
        return offv

    offv = lax.fori_loop(0, NCPI // 2, copy_pair, zeros16)
    n = jnp.max(offv)

    def wpass(g, carry):
        p = g * 16 + lanes
        m = p < n
        siv = sif_v[pl.ds(g * 16, 16)]
        sv = jnp.where(m, siv - lo, 0)
        wv = plsc.load_gather(lwin_v, [sv], mask=m)
        pc = jnp.where(m, p, 0)
        plsc.store_scatter(
            sw2_v, [lax.shift_right_logical(pc, 7), pc & (CH - 1)], wv, mask=m
        )
        return carry

    lax.fori_loop(0, (n + 15) >> 4, wpass, 0)

    nch = (n + (CH - 1)) >> 7

    @pl.when(n > 0)
    def _pad():
        pe = nch * CH
        si0 = plsc.load_gather(sif_v, [zeros16])
        sw0 = plsc.load_gather(lwin_v, [si0 - lo])
        for t in range(CH // 16):
            p = n + t * 16 + lanes
            m = p < pe
            pc = jnp.where(m, p, 0)
            r = lax.shift_right_logical(pc, 7)
            c = pc & (CH - 1)
            plsc.store_scatter(si2_v, [r, c], si0, mask=m)
            plsc.store_scatter(sw2_v, [r, c], sw0, mask=m)

    def dma_chunk(j, carry):
        pltpu.async_copy(out_hbm.at[sw2_v.at[j]], rowbuf, dsem).wait()
        pltpu.async_copy(rowbuf, tnew_hbm.at[si2_v.at[j]], dsem).wait()
        return carry

    lax.fori_loop(0, nch, dma_chunk, 0)


def _sc_scatter(table, out, idx):
    mesh = plsc.VectorSubcoreMesh(core_axis_name="c", subcore_axis_name="s")
    return pl.kernel(
        _sc_scatter_body,
        out_type=jax.ShapeDtypeStruct((V, D), jnp.float32),
        mesh=mesh,
        compiler_params=pltpu.CompilerParams(use_tc_tiling_on_sc=False, needs_layout_passes=False),
        scratch_types=[
            pltpu.VMEM((B,), jnp.int32),
            pltpu.VMEM((RPW,), jnp.int32),
            pltpu.VMEM((B,), jnp.int32),
            pltpu.VMEM((NCH, CH), jnp.int32),
            pltpu.VMEM((NCH, CH), jnp.int32),
            pltpu.VMEM((CH, D), jnp.float32),
            pltpu.VMEM((16,), jnp.int32),
            pltpu.VMEM_SHARED((16, CROWS, D), jnp.float32),
            pltpu.VMEM_SHARED((16, CROWS, D), jnp.float32),
            pltpu.SemaphoreType.DMA,
            pltpu.SemaphoreType.DMA,
            pltpu.SemaphoreType.DMA,
            pltpu.SemaphoreType.DMA,
            pltpu.SemaphoreType.DMA,
        ],
    )(table, out, idx)



def kernel(inputs, context, table, W_ctx, b_ctx, W_delta, b_delta):
    idx = inputs.reshape(B).astype(jnp.int32)
    emb = _sc_gather(table, idx)
    out = _tc_compute(emb, context, W_ctx, b_ctx, W_delta, b_delta)
    table_new = _sc_scatter(table, out, idx)
    return out, table_new

# --- scband reference (transcript-rebuilt; emitter-appended) ---
"""Pipeline reference for scband-dynamic-entity-32195074851378 (READ-ONLY COPY).

The authoritative reference and input builder live on the scoring server;
editing this copy changes nothing except your own understanding.
"""

import jax, jax.numpy as jnp
import numpy as np

B, L, V, D, C = 16384, 1, 1000000, 64, 128


def setup_inputs(seed: int = 0) -> dict:
    key = jax.random.key(seed)
    ks = jax.random.split(key, 6)
    inputs = jax.random.randint(ks[0], (B, L), 0, V)
    context = jax.random.normal(ks[1], (B, C), dtype=jnp.float32)
    table = jax.random.normal(ks[2], (V, D), dtype=jnp.float32) * 0.02
    W_ctx = jax.random.normal(ks[3], (C, D), dtype=jnp.float32) * (1.0 / np.sqrt(C))
    b_ctx = jnp.zeros((D,), jnp.float32)
    W_delta = jax.random.normal(ks[4], (D, D), dtype=jnp.float32) * (1.0 / np.sqrt(D))
    b_delta = jnp.zeros((D,), jnp.float32)
    return {"inputs": inputs, "context": context, "table": table,
            "W_ctx": W_ctx, "b_ctx": b_ctx, "W_delta": W_delta, "b_delta": b_delta}


def reference(inputs, context, table, W_ctx, b_ctx, W_delta, b_delta):
    # embedder lookup: gather entity rows
    embedded = jnp.take(table, inputs, axis=0)  # [B, L, D]
    # FeedForward(context_dim -> entity_dim, 1 layer, Sigmoid activation, dropout 0)
    ctx_t = jax.nn.sigmoid(context @ W_ctx + b_ctx)  # [B, D]
    ctx_e = jnp.broadcast_to(ctx_t[:, None, :], embedded.shape)  # [B, L, D]
    # gated delta update
    entity_delta = jax.nn.sigmoid((embedded @ W_delta + b_delta) * ctx_e)
    entities_updated = entity_delta * embedded + (1.0 - entity_delta) * ctx_e
    # torch F.normalize(p=2, dim=-1) with eps 1e-12
    denom = jnp.clip(jnp.linalg.norm(entities_updated, ord=2, axis=-1, keepdims=True), 1e-12, None)
    entities_updated_norm = entities_updated / denom
    # embedder.update(inputs, entities_updated_norm): scatter-overwrite into the memory table
    table_new = table.at[inputs.reshape(-1)].set(entities_updated_norm.reshape(-1, D))
    # no entity_encoder -> squeeze dim=1
    out = jnp.squeeze(entities_updated_norm, axis=1)  # [B, D]
    return (out, table_new)

if __name__ == "__main__":
    import jax
    _d = setup_inputs()
    print(jax.jit(kernel)(*tuple(_d.values())))

</pallas_src>

<mosaic_0001>
#map = affine_map<(d0, d1) -> (0, 0)>
#map1 = affine_map<(d0, d1) -> (0)>
module attributes {stable_mosaic.version = 14 : i64} {
  func.func @_sc_gather_body(%arg0: i32, %arg1: i32, %arg2: memref<1000000x64xf32, #tpu.memory_space<hbm>>, %arg3: memref<16384xi32, #tpu.memory_space<hbm>>, %arg4: memref<16384x64xf32, #tpu.memory_space<hbm>>, %arg5: memref<512xi32, #tpu.memory_space<vmem>>, %arg6: memref<512x64xf32, #tpu.memory_space<vmem>>, %arg7: memref<!tpu.dma_semaphore, #tpu.memory_space<semaphore_mem>>) attributes {dimension_semantics = [#tpu.dimension_semantics<core_parallel>, #tpu.dimension_semantics<subcore_parallel>], iteration_bounds = array<i64: 2, 16>, scalar_prefetch = 0 : i64, scratch_operands = 3 : i64, tpu.core_type = #tpu.core_type<sc_vector_subcore>, window_params = [{transform_indices = #map}, {transform_indices = #map1}, {transform_indices = #map}]} {
    %mul3A = arith.constant 2 : i32
    %mul3A_0 = arith.muli %arg1, %mul3A : i32
    %add3A = arith.addi %mul3A_0, %arg0 : i32
    %mul3A_1 = arith.constant 512 : i32
    %mul3A_2 = arith.muli %add3A, %mul3A_1 : i32
    "tpu.region"() ({
      %run_scoped3A = tpu.sem_alloc : memref<!tpu.dma_semaphore, #tpu.memory_space<semaphore_mem>>
      %dma_start3A_7 = tpu.memref_slice %arg3[%mul3A_2] : memref<16384xi32, #tpu.memory_space<hbm>> -> memref<512xi32, #tpu.memory_space<hbm>>
      %dma_start3A_8 = tpu.memref_slice %arg3[%mul3A_2] : memref<16384xi32, #tpu.memory_space<hbm>> -> memref<512xi32, #tpu.memory_space<hbm>>
      tpu.enqueue_dma source(%dma_start3A_8 : memref<512xi32, #tpu.memory_space<hbm>>) target(%arg5 : memref<512xi32, #tpu.memory_space<vmem>>) target_semaphore(%run_scoped3A : memref<!tpu.dma_semaphore, #tpu.memory_space<semaphore_mem>>)
      %dma_wait3A_9 = tpu.memref_slice %arg3[%mul3A_2] : memref<16384xi32, #tpu.memory_space<hbm>> -> memref<512xi32, #tpu.memory_space<hbm>>
      %dma_wait3A_10 = tpu.memref_slice %arg3[%mul3A_2] : memref<16384xi32, #tpu.memory_space<hbm>> -> memref<512xi32, #tpu.memory_space<hbm>>
      tpu.wait_dma2 semaphore(%run_scoped3A : memref<!tpu.dma_semaphore, #tpu.memory_space<semaphore_mem>>) src(%dma_wait3A_10 : memref<512xi32, #tpu.memory_space<hbm>>) dst(%arg5 : memref<512xi32, #tpu.memory_space<vmem>>)
      tpu.yield
    }) : () -> ()
    %dma_start3A = arith.constant 0 : i32
    %dma_start3A_3 = arith.constant 0 : i32
    %dma_start3A_4 = tpu.memref_slice %arg2[%dma_start3A, %dma_start3A_3] : memref<1000000x64xf32, #tpu.memory_space<hbm>> -> memref<1000000x64xf32, #tpu.memory_space<hbm>>
    tpu.enqueue_indirect_dma source(%dma_start3A_4 : memref<1000000x64xf32, #tpu.memory_space<hbm>>) target(%arg6 : memref<512x64xf32, #tpu.memory_space<vmem>>) offsets(%arg5 : memref<512xi32, #tpu.memory_space<vmem>>) semaphore(%arg7 : memref<!tpu.dma_semaphore, #tpu.memory_space<semaphore_mem>>)
    %dma_wait3A = arith.constant 0 : i32
    %dma_wait3A_5 = arith.constant 0 : i32
    %dma_wait3A_6 = tpu.memref_slice %arg2[%dma_wait3A, %dma_wait3A_5] : memref<1000000x64xf32, #tpu.memory_space<hbm>> -> memref<1000000x64xf32, #tpu.memory_space<hbm>>
    tpu.wait_indirect_dma semaphore(%arg7 : memref<!tpu.dma_semaphore, #tpu.memory_space<semaphore_mem>>) src(%dma_wait3A_6 : memref<1000000x64xf32, #tpu.memory_space<hbm>>) dst(%arg6 : memref<512x64xf32, #tpu.memory_space<vmem>>)
    "tpu.region"() ({
      %run_scoped3A = tpu.sem_alloc : memref<!tpu.dma_semaphore, #tpu.memory_space<semaphore_mem>>
      %dma_start3A_7 = arith.constant 0 : i32
      %dma_start3A_8 = tpu.memref_slice %arg4[%mul3A_2, %dma_start3A_7] : memref<16384x64xf32, #tpu.memory_space<hbm>> -> memref<512x64xf32, #tpu.memory_space<hbm>>
      %dma_start3A_9 = arith.constant 0 : i32
      %dma_start3A_10 = tpu.memref_slice %arg4[%mul3A_2, %dma_start3A_9] : memref<16384x64xf32, #tpu.memory_space<hbm>> -> memref<512x64xf32, #tpu.memory_space<hbm>>
      tpu.enqueue_dma source(%arg6 : memref<512x64xf32, #tpu.memory_space<vmem>>) target(%dma_start3A_10 : memref<512x64xf32, #tpu.memory_space<hbm>>) target_semaphore(%run_scoped3A : memref<!tpu.dma_semaphore, #tpu.memory_space<semaphore_mem>>)
      %dma_wait3A_11 = arith.constant 0 : i32
      %dma_wait3A_12 = tpu.memref_slice %arg4[%mul3A_2, %dma_wait3A_11] : memref<16384x64xf32, #tpu.memory_space<hbm>> -> memref<512x64xf32, #tpu.memory_space<hbm>>
      %dma_wait3A_13 = arith.constant 0 : i32
      %dma_wait3A_14 = tpu.memref_slice %arg4[%mul3A_2, %dma_wait3A_13] : memref<16384x64xf32, #tpu.memory_space<hbm>> -> memref<512x64xf32, #tpu.memory_space<hbm>>
      tpu.wait_dma2 semaphore(%run_scoped3A : memref<!tpu.dma_semaphore, #tpu.memory_space<semaphore_mem>>) src(%arg6 : memref<512x64xf32, #tpu.memory_space<vmem>>) dst(%dma_wait3A_14 : memref<512x64xf32, #tpu.memory_space<hbm>>)
      tpu.yield
    }) : () -> ()
    return
  }
}

#map = affine_map<(d0, d1) -> (0, 0)>
#map1 = affine_map<(d0, d1) -> (0)>
module attributes {stable_mosaic.version = 14 : i64} {
  func.func @_sc_scatter_body(%arg0: i32, %arg1: i32, %arg2: memref<1000000x64xf32, #tpu.memory_space<hbm>>, %arg3: memref<16384x64xf32, #tpu.memory_space<hbm>>, %arg4: memref<16384xi32, #tpu.memory_space<hbm>>, %arg5: memref<1000000x64xf32, #tpu.memory_space<hbm>>, %arg6: memref<16384xi32, #tpu.memory_space<vmem>>, %arg7: memref<31250xi32, #tpu.memory_space<vmem>>, %arg8: memref<16384xi32, #tpu.memory_space<vmem>>, %arg9: memref<128x128xi32, #tpu.memory_space<vmem>>, %arg10: memref<128x128xi32, #tpu.memory_space<vmem>>, %arg11: memref<128x64xf32, #tpu.memory_space<vmem>>, %arg12: memref<16xi32, #tpu.memory_space<vmem>>, %arg13: memref<16x125x64xf32, #tpu.memory_space<vmem_shared>>, %arg14: memref<16x125x64xf32, #tpu.memory_space<vmem_shared>>, %arg15: memref<!tpu.dma_semaphore, #tpu.memory_space<semaphore_mem>>, %arg16: memref<!tpu.dma_semaphore, #tpu.memory_space<semaphore_mem>>, %arg17: memref<!tpu.dma_semaphore, #tpu.memory_space<semaphore_mem>>, %arg18: memref<!tpu.dma_semaphore, #tpu.memory_space<semaphore_mem>>, %arg19: memref<!tpu.dma_semaphore, #tpu.memory_space<semaphore_mem>>) attributes {dimension_semantics = [#tpu.dimension_semantics<core_parallel>, #tpu.dimension_semantics<subcore_parallel>], iteration_bounds = array<i64: 2, 16>, scalar_prefetch = 0 : i64, scratch_operands = 14 : i64, tpu.core_type = #tpu.core_type<sc_vector_subcore>, window_params = [{transform_indices = #map}, {transform_indices = #map}, {transform_indices = #map1}, {transform_indices = #map}]} {
    %mul3A = arith.constant 2 : i32
    %mul3A_0 = arith.muli %arg1, %mul3A : i32
    %add3A = arith.addi %mul3A_0, %arg0 : i32
    %mul3A_1 = arith.constant 31250 : i32
    %mul3A_2 = arith.muli %add3A, %mul3A_1 : i32
    %add3A_3 = arith.constant 0 : i32
    %add3A_4 = arith.addi %mul3A_2, %add3A_3 : i32
    %dma_start3A = arith.constant 0 : i32
    %dma_start3A_5 = arith.constant 0 : i32
    %dma_start3A_6 = tpu.memref_slice %arg13[%arg1, %dma_start3A, %dma_start3A_5] : memref<16x125x64xf32, #tpu.memory_space<vmem_shared>> -> memref<1x125x64xf32, #tpu.memory_space<vmem_shared>>
    %dma_start3A_7 = tpu.memref_squeeze %dma_start3A_6 : memref<1x125x64xf32, #tpu.memory_space<vmem_shared>> -> memref<125x64xf32, #tpu.memory_space<vmem_shared>>
    %dma_start3A_8 = arith.constant 0 : i32
    %dma_start3A_9 = tpu.memref_slice %arg2[%add3A_4, %dma_start3A_8] : memref<1000000x64xf32, #tpu.memory_space<hbm>> -> memref<125x64xf32, #tpu.memory_space<hbm>>
    tpu.enqueue_dma source(%dma_start3A_9 : memref<125x64xf32, #tpu.memory_space<hbm>>) target(%dma_start3A_7 : memref<125x64xf32, #tpu.memory_space<vmem_shared>>) target_semaphore(%arg15 : memref<!tpu.dma_semaphore, #tpu.memory_space<semaphore_mem>>)
    %add3A_10 = arith.constant 125 : i32
    %add3A_11 = arith.addi %mul3A_2, %add3A_10 : i32
    %dma_start3A_12 = arith.constant 0 : i32
    %dma_start3A_13 = arith.constant 0 : i32
    %dma_start3A_14 = tpu.memref_slice %arg14[%arg1, %dma_start3A_12, %dma_start3A_13] : memref<16x125x64xf32, #tpu.memory_space<vmem_shared>> -> memref<1x125x64xf32, #tpu.memory_space<vmem_shared>>
    %dma_start3A_15 = tpu.memref_squeeze %dma_start3A_14 : memref<1x125x64xf32, #tpu.memory_space<vmem_shared>> -> memref<125x64xf32, #tpu.memory_space<vmem_shared>>
    %dma_start3A_16 = arith.constant 0 : i32
    %dma_start3A_17 = tpu.memref_slice %arg2[%add3A_11, %dma_start3A_16] : memref<1000000x64xf32, #tpu.memory_space<hbm>> -> memref<125x64xf32, #tpu.memory_space<hbm>>
    tpu.enqueue_dma source(%dma_start3A_17 : memref<125x64xf32, #tpu.memory_space<hbm>>) target(%dma_start3A_15 : memref<125x64xf32, #tpu.memory_space<vmem_shared>>) target_semaphore(%arg16 : memref<!tpu.dma_semaphore, #tpu.memory_space<semaphore_mem>>)
    "tpu.region"() ({
      %run_scoped3A = tpu.sem_alloc : memref<!tpu.dma_semaphore, #tpu.memory_space<semaphore_mem>>
      tpu.enqueue_dma source(%arg4 : memref<16384xi32, #tpu.memory_space<hbm>>) target(%arg6 : memref<16384xi32, #tpu.memory_space<vmem>>) target_semaphore(%run_scoped3A : memref<!tpu.dma_semaphore, #tpu.memory_space<semaphore_mem>>)
      tpu.wait_dma2 semaphore(%run_scoped3A : memref<!tpu.dma_semaphore, #tpu.memory_space<semaphore_mem>>) src(%arg4 : memref<16384xi32, #tpu.memory_space<hbm>>) dst(%arg6 : memref<16384xi32, #tpu.memory_space<vmem>>)
      tpu.yield
    }) : () -> ()
    %iota3A = tpu.iota {dimensions = array<i32: 0>} : vector<16xi32>
    %broadcast_in_dim3A = arith.constant 0 : i32
    %broadcast_in_dim3A_18 = vector.broadcast %broadcast_in_dim3A : i32 to vector<16xi32>
    %scan3A = arith.constant 0 : i32
    %scan3A_19 = arith.constant 125 : i32
    %scan3A_20 = arith.addi %scan3A, %scan3A_19 : i32
    %scan3A_21 = arith.constant 1 : i32
    %scan3A_22 = scf.for %scan3A_59 = %scan3A to %scan3A_20 step %scan3A_21 iter_args(%scan3A_60 = %broadcast_in_dim3A_18) -> (vector<16xi32>)  : i32 {
      %mul3A_61 = arith.constant 2 : i32
      %mul3A_62 = arith.muli %scan3A_59, %mul3A_61 : i32
      %add3A_63 = arith.constant 0 : i32
      %add3A_64 = arith.addi %mul3A_62, %add3A_63 : i32
      %mul3A_65 = arith.constant 125 : i32
      %mul3A_66 = arith.muli %add3A_64, %mul3A_65 : i32
      %add3A_67 = arith.addi %mul3A_2, %mul3A_66 : i32
      %dma_wait3A = arith.constant 0 : i32
      %dma_wait3A_68 = arith.constant 0 : i32
      %dma_wait3A_69 = tpu.memref_slice %arg13[%arg1, %dma_wait3A, %dma_wait3A_68] : memref<16x125x64xf32, #tpu.memory_space<vmem_shared>> -> memref<1x125x64xf32, #tpu.memory_space<vmem_shared>>
      %dma_wait3A_70 = tpu.memref_squeeze %dma_wait3A_69 : memref<1x125x64xf32, #tpu.memory_space<vmem_shared>> -> memref<125x64xf32, #tpu.memory_space<vmem_shared>>
      %dma_wait3A_71 = arith.constant 0 : i32
      %dma_wait3A_72 = tpu.memref_slice %arg2[%add3A_67, %dma_wait3A_71] : memref<1000000x64xf32, #tpu.memory_space<hbm>> -> memref<125x64xf32, #tpu.memory_space<hbm>>
      tpu.wait_dma2 semaphore(%arg15 : memref<!tpu.dma_semaphore, #tpu.memory_space<semaphore_mem>>) src(%dma_wait3A_72 : memref<125x64xf32, #tpu.memory_space<hbm>>) dst(%dma_wait3A_70 : memref<125x64xf32, #tpu.memory_space<vmem_shared>>)
      %mul3A_73 = arith.constant 125 : i32
      %mul3A_74 = arith.muli %add3A_64, %mul3A_73 : i32
      %add3A_75 = arith.addi %mul3A_2, %mul3A_74 : i32
      %dma_start3A_76 = arith.constant 0 : i32
      %dma_start3A_77 = tpu.memref_slice %arg5[%add3A_75, %dma_start3A_76] : memref<1000000x64xf32, #tpu.memory_space<hbm>> -> memref<125x64xf32, #tpu.memory_space<hbm>>
      %dma_start3A_78 = arith.constant 0 : i32
      %dma_start3A_79 = arith.constant 0 : i32
      %dma_start3A_80 = tpu.memref_slice %arg13[%arg1, %dma_start3A_78, %dma_start3A_79] : memref<16x125x64xf32, #tpu.memory_space<vmem_shared>> -> memref<1x125x64xf32, #tpu.memory_space<vmem_shared>>
      %dma_start3A_81 = tpu.memref_squeeze %dma_start3A_80 : memref<1x125x64xf32, #tpu.memory_space<vmem_shared>> -> memref<125x64xf32, #tpu.memory_space<vmem_shared>>
      tpu.enqueue_dma source(%dma_start3A_81 : memref<125x64xf32, #tpu.memory_space<vmem_shared>>) target(%dma_start3A_77 : memref<125x64xf32, #tpu.memory_space<hbm>>) target_semaphore(%arg17 : memref<!tpu.dma_semaphore, #tpu.memory_space<semaphore_mem>>)
      %mul3A_82 = arith.constant 5 : i32
      %mul3A_83 = arith.muli %add3A_64, %mul3A_82 : i32
      %min3A = arith.constant 1024 : i32
      %min3A_84 = arith.minsi %mul3A_83, %min3A : i32
      %add3A_85 = arith.constant 1 : i32
      %add3A_86 = arith.addi %add3A_64, %add3A_85 : i32
      %mul3A_87 = arith.constant 5 : i32
      %mul3A_88 = arith.muli %add3A_86, %mul3A_87 : i32
      %min3A_89 = arith.constant 1024 : i32
      %min3A_90 = arith.minsi %mul3A_88, %min3A_89 : i32
      %while3A_91 = arith.subi %min3A_90, %min3A_84 : i32
      %while3A_92 = arith.addi %min3A_84, %while3A_91 : i32
      %while3A_93 = arith.constant 1 : i32
      %while3A_94 = arith.divsi %while3A_91, %while3A_93 : i32
      %while3A_95 = arith.muli %while3A_94, %while3A_93 : i32
      %while3A_96 = arith.addi %min3A_84, %while3A_95 : i32
      %while3A_97 = arith.constant 1 : i32
      %while3A_98 = scf.for %while3A_174 = %min3A_84 to %while3A_96 step %while3A_97 iter_args(%while3A_175 = %scan3A_60) -> (vector<16xi32>)  : i32 {
        %mul3A_176 = arith.constant 16 : i32
        %mul3A_177 = arith.muli %while3A_174, %mul3A_176 : i32
        %add3A_178 = vector.broadcast %mul3A_177 : i32 to vector<16xi32>
        %add3A_179 = arith.addi %add3A_178, %iota3A : vector<16xi32>
        %mul3A_180 = arith.constant 16 : i32
        %mul3A_181 = arith.muli %while3A_174, %mul3A_180 : i32
        %get3A = arith.index_cast %mul3A_181 : i32 to index
        %get3A_182 = tpu.vector_load %arg6[%get3A] {strides = array<i32>} : memref<16384xi32, #tpu.memory_space<vmem>>, vector<16xi32>,
        %ge3A = vector.broadcast %mul3A_2 : i32 to vector<16xi32>
        %ge3A_183 = arith.cmpi sge, %get3A_182, %ge3A : vector<16xi32>
        %add3A_184 = arith.constant 31250 : i32
        %add3A_185 = arith.addi %mul3A_2, %add3A_184 : i32
        %lt3A_186 = vector.broadcast %add3A_185 : i32 to vector<16xi32>
        %lt3A_187 = arith.cmpi slt, %get3A_182, %lt3A_186 : vector<16xi32>
        %and3A = arith.andi %ge3A_183, %lt3A_187 : vector<16xi1>
        %sub3A = vector.broadcast %mul3A_2 : i32 to vector<16xi32>
        %sub3A_188 = arith.subi %get3A_182, %sub3A : vector<16xi32>
        %mul3A_189 = arith.constant 16 : i32
        %mul3A_190 = vector.broadcast %mul3A_189 : i32 to vector<16xi32>
        %mul3A_191 = arith.muli %sub3A_188, %mul3A_190 : vector<16xi32>
        %add3A_192 = arith.addi %mul3A_191, %iota3A : vector<16xi32>
        %jit3A = arith.constant 2130706432 : i32
        %broadcast_in_dim3A_193 = vector.broadcast %jit3A : i32 to vector<16xi32>
        %select_n3A = arith.select %and3A, %add3A_192, %broadcast_in_dim3A_193 : vector<16xi1>, vector<16xi32>
        %masked_sort3A = arith.constant dense<true> : vector<16xi1>
        %masked_sort3A_194 = arith.constant -2147483648 : i32
        %masked_sort3A_195 = vector.broadcast %masked_sort3A_194 : i32 to vector<16xi32>
        %masked_sort3A_196 = arith.xori %select_n3A, %masked_sort3A_195 : vector<16xi32>
        %masked_sort3A_197, %masked_sort3A_198, %masked_sort3A_199 = tpu.sort %masked_sort3A_196, %add3A_179 masked %masked_sort3A : (vector<16xi32>, vector<16xi32>, vector<16xi1>) -> (vector<16xi1>, vector<16xi32>, vector<16xi32>)
        %masked_sort3A_200 = arith.xori %masked_sort3A_198, %masked_sort3A_195 : vector<16xi32>
        %swap3A = arith.constant 0 : index
        %swap3A_201 = tpu.vector_load %arg12[%swap3A] {strides = array<i32>} : memref<16xi32, #tpu.memory_space<vmem>>, vector<16xi32>,
        tpu.vector_store %arg12[%swap3A], %masked_sort3A_200 {strides = array<i32>} : memref<16xi32, #tpu.memory_space<vmem>>, vector<16xi32>,
        %add3A_202 = arith.constant 1 : i32
        %add3A_203 = vector.broadcast %add3A_202 : i32 to vector<16xi32>
        %add3A_204 = arith.addi %iota3A, %add3A_203 : vector<16xi32>
        %min3A_205 = arith.constant 15 : i32
        %min3A_206 = vector.broadcast %min3A_205 : i32 to vector<16xi32>
        %min3A_207 = arith.minsi %add3A_204, %min3A_206 : vector<16xi32>
        %gather3A = tpu.vector_load_idx %arg12[%min3A_207] : memref<16xi32, #tpu.memory_space<vmem>>[vector<16xi32>], vector<16xi32>,
        %lt3A_208 = arith.constant 2130706432 : i32
        %lt3A_209 = vector.broadcast %lt3A_208 : i32 to vector<16xi32>
        %lt3A_210 = arith.cmpi slt, %masked_sort3A_200, %lt3A_209 : vector<16xi32>
        %shift_right_logical3A = arith.constant 4 : i32
        %shift_right_logical3A_211 = vector.broadcast %shift_right_logical3A : i32 to vector<16xi32>
        %shift_right_logical3A_212 = arith.shrui %masked_sort3A_200, %shift_right_logical3A_211 : vector<16xi32>
        %eq3A = arith.constant 15 : i32
        %eq3A_213 = vector.broadcast %eq3A : i32 to vector<16xi32>
        %eq3A_214 = arith.cmpi eq, %iota3A, %eq3A_213 : vector<16xi32>
        %shift_right_logical3A_215 = arith.constant 4 : i32
        %shift_right_logical3A_216 = vector.broadcast %shift_right_logical3A_215 : i32 to vector<16xi32>
        %shift_right_logical3A_217 = arith.shrui %gather3A, %shift_right_logical3A_216 : vector<16xi32>
        %ne3A = arith.cmpi ne, %shift_right_logical3A_217, %shift_right_logical3A_212 : vector<16xi32>
        %or3A = arith.ori %eq3A_214, %ne3A : vector<16xi1>
        %and3A_218 = arith.andi %lt3A_210, %or3A : vector<16xi1>
        %jit3A_219 = arith.constant 0 : i32
        %broadcast_in_dim3A_220 = vector.broadcast %jit3A_219 : i32 to vector<16xi32>
        %select_n3A_221 = arith.select %and3A_218, %shift_right_logical3A_212, %broadcast_in_dim3A_220 : vector<16xi1>, vector<16xi32>
        tpu.vector_store_idx %arg7[%select_n3A_221], %masked_sort3A_199 masked %and3A_218 : memref<31250xi32, #tpu.memory_space<vmem>>[vector<16xi32>], vector<16xi32>, vector<16xi1>
        %convert_element_type3A_222 = arith.extui %and3A_218 : vector<16xi1> to vector<16xi32>
        %broadcast_in_dim3A_223 = arith.constant true
        %broadcast_in_dim3A_224 = vector.broadcast %broadcast_in_dim3A_223 : i1 to vector<16xi1>
        %masked_cumsum3A = tpu.scan <sum>, %convert_element_type3A_222 masked %broadcast_in_dim3A_224 : vector<16xi32>, vector<16xi1> -> vector<16xi32>
        %add3A_225 = arith.addi %while3A_175, %masked_cumsum3A : vector<16xi32>
        %sub3A_226 = arith.constant 1 : i32
        %sub3A_227 = vector.broadcast %sub3A_226 : i32 to vector<16xi32>
        %sub3A_228 = arith.subi %add3A_225, %sub3A_227 : vector<16xi32>
        %jit3A_229 = arith.constant 0 : i32
        %broadcast_in_dim3A_230 = vector.broadcast %jit3A_229 : i32 to vector<16xi32>
        %select_n3A_231 = arith.select %and3A_218, %sub3A_228, %broadcast_in_dim3A_230 : vector<16xi1>, vector<16xi32>
        %add3A_232 = vector.broadcast %mul3A_2 : i32 to vector<16xi32>
        %add3A_233 = arith.addi %shift_right_logical3A_212, %add3A_232 : vector<16xi32>
        %jit3A_234 = arith.constant 0 : i32
        %broadcast_in_dim3A_235 = vector.broadcast %jit3A_234 : i32 to vector<16xi32>
        %select_n3A_236 = arith.select %and3A_218, %add3A_233, %broadcast_in_dim3A_235 : vector<16xi1>, vector<16xi32>
        tpu.vector_store_idx %arg8[%select_n3A_231], %select_n3A_236 masked %and3A_218 : memref<16384xi32, #tpu.memory_space<vmem>>[vector<16xi32>], vector<16xi32>, vector<16xi1>
        %shift_right_logical3A_237 = arith.constant 7 : i32
        %shift_right_logical3A_238 = vector.broadcast %shift_right_logical3A_237 : i32 to vector<16xi32>
        %shift_right_logical3A_239 = arith.shrui %select_n3A_231, %shift_right_logical3A_238 : vector<16xi32>
        %and3A_240 = arith.constant 127 : i32
        %and3A_241 = vector.broadcast %and3A_240 : i32 to vector<16xi32>
        %and3A_242 = arith.andi %select_n3A_231, %and3A_241 : vector<16xi32>
        tpu.vector_store_idx %arg9[%shift_right_logical3A_239, %and3A_242], %select_n3A_236 masked %and3A_218 : memref<128x128xi32, #tpu.memory_space<vmem>>[vector<16xi32>, vector<16xi32>], vector<16xi32>, vector<16xi1>
        %all_reduce_population_count3A = tpu.all_reduce %and3A_218 {dim = 0 : i64, kind = #tpu.reduction_kind<sum>} : vector<16xi1> -> vector<16xi32>
        %add3A_243 = arith.addi %while3A_175, %all_reduce_population_count3A : vector<16xi32>
        scf.yield %add3A_243 : vector<16xi32>
      }
      %while3A_99 = arith.constant 1 : i32
      %while3A_100 = scf.for %while3A_174 = %while3A_96 to %while3A_92 step %while3A_99 iter_args(%while3A_175 = %while3A_98) -> (vector<16xi32>)  : i32 {
        %mul3A_176 = arith.constant 16 : i32
        %mul3A_177 = arith.muli %while3A_174, %mul3A_176 : i32
        %add3A_178 = vector.broadcast %mul3A_177 : i32 to vector<16xi32>
        %add3A_179 = arith.addi %add3A_178, %iota3A : vector<16xi32>
        %mul3A_180 = arith.constant 16 : i32
        %mul3A_181 = arith.muli %while3A_174, %mul3A_180 : i32
        %get3A = arith.index_cast %mul3A_181 : i32 to index
        %get3A_182 = tpu.vector_load %arg6[%get3A] {strides = array<i32>} : memref<16384xi32, #tpu.memory_space<vmem>>, vector<16xi32>,
        %ge3A = vector.broadcast %mul3A_2 : i32 to vector<16xi32>
        %ge3A_183 = arith.cmpi sge, %get3A_182, %ge3A : vector<16xi32>
        %add3A_184 = arith.constant 31250 : i32
        %add3A_185 = arith.addi %mul3A_2, %add3A_184 : i32
        %lt3A_186 = vector.broadcast %add3A_185 : i32 to vector<16xi32>
        %lt3A_187 = arith.cmpi slt, %get3A_182, %lt3A_186 : vector<16xi32>
        %and3A = arith.andi %ge3A_183, %lt3A_187 : vector<16xi1>
        %sub3A = vector.broadcast %mul3A_2 : i32 to vector<16xi32>
        %sub3A_188 = arith.subi %get3A_182, %sub3A : vector<16xi32>
        %mul3A_189 = arith.constant 16 : i32
        %mul3A_190 = vector.broadcast %mul3A_189 : i32 to vector<16xi32>
        %mul3A_191 = arith.muli %sub3A_188, %mul3A_190 : vector<16xi32>
        %add3A_192 = arith.addi %mul3A_191, %iota3A : vector<16xi32>
        %jit3A = arith.constant 2130706432 : i32
        %broadcast_in_dim3A_193 = vector.broadcast %jit3A : i32 to vector<16xi32>
        %select_n3A = arith.select %and3A, %add3A_192, %broadcast_in_dim3A_193 : vector<16xi1>, vector<16xi32>
        %masked_sort3A = arith.constant dense<true> : vector<16xi1>
        %masked_sort3A_194 = arith.constant -2147483648 : i32
        %masked_sort3A_195 = vector.broadcast %masked_sort3A_194 : i32 to vector<16xi32>
        %masked_sort3A_196 = arith.xori %select_n3A, %masked_sort3A_195 : vector<16xi32>
        %masked_sort3A_197, %masked_sort3A_198, %masked_sort3A_199 = tpu.sort %masked_sort3A_196, %add3A_179 masked %masked_sort3A : (vector<16xi32>, vector<16xi32>, vector<16xi1>) -> (vector<16xi1>, vector<16xi32>, vector<16xi32>)
        %masked_sort3A_200 = arith.xori %masked_sort3A_198, %masked_sort3A_195 : vector<16xi32>
        %swap3A = arith.constant 0 : index
        %swap3A_201 = tpu.vector_load %arg12[%swap3A] {strides = array<i32>} : memref<16xi32, #tpu.memory_space<vmem>>, vector<16xi32>,
        tpu.vector_store %arg12[%swap3A], %masked_sort3A_200 {strides = array<i32>} : memref<16xi32, #tpu.memory_space<vmem>>, vector<16xi32>,
        %add3A_202 = arith.constant 1 : i32
        %add3A_203 = vector.broadcast %add3A_202 : i32 to vector<16xi32>
        %add3A_204 = arith.addi %iota3A, %add3A_203 : vector<16xi32>
        %min3A_205 = arith.constant 15 : i32
        %min3A_206 = vector.broadcast %min3A_205 : i32 to vector<16xi32>
        %min3A_207 = arith.minsi %add3A_204, %min3A_206 : vector<16xi32>
        %gather3A = tpu.vector_load_idx %arg12[%min3A_207] : memref<16xi32, #tpu.memory_space<vmem>>[vector<16xi32>], vector<16xi32>,
        %lt3A_208 = arith.constant 2130706432 : i32
        %lt3A_209 = vector.broadcast %lt3A_208 : i32 to vector<16xi32>
        %lt3A_210 = arith.cmpi slt, %masked_sort3A_200, %lt3A_209 : vector<16xi32>
        %shift_right_logical3A = arith.constant 4 : i32
        %shift_right_logical3A_211 = vector.broadcast %shift_right_logical3A : i32 to vector<16xi32>
        %shift_right_logical3A_212 = arith.shrui %masked_sort3A_200, %shift_right_logical3A_211 : vector<16xi32>
        %eq3A = arith.constant 15 : i32
        %eq3A_213 = vector.broadcast %eq3A : i32 to vector<16xi32>
        %eq3A_214 = arith.cmpi eq, %iota3A, %eq3A_213 : vector<16xi32>
        %shift_right_logical3A_215 = arith.constant 4 : i32
        %shift_right_logical3A_216 = vector.broadcast %shift_right_logical3A_215 : i32 to vector<16xi32>
        %shift_right_logical3A_217 = arith.shrui %gather3A, %shift_right_logical3A_216 : vector<16xi32>
        %ne3A = arith.cmpi ne, %shift_right_logical3A_217, %shift_right_logical3A_212 : vector<16xi32>
        %or3A = arith.ori %eq3A_214, %ne3A : vector<16xi1>
        %and3A_218 = arith.andi %lt3A_210, %or3A : vector<16xi1>
        %jit3A_219 = arith.constant 0 : i32
        %broadcast_in_dim3A_220 = vector.broadcast %jit3A_219 : i32 to vector<16xi32>
        %select_n3A_221 = arith.select %and3A_218, %shift_right_logical3A_212, %broadcast_in_dim3A_220 : vector<16xi1>, vector<16xi32>
        tpu.vector_store_idx %arg7[%select_n3A_221], %masked_sort3A_199 masked %and3A_218 : memref<31250xi32, #tpu.memory_space<vmem>>[vector<16xi32>], vector<16xi32>, vector<16xi1>
        %convert_element_type3A_222 = arith.extui %and3A_218 : vector<16xi1> to vector<16xi32>
        %broadcast_in_dim3A_223 = arith.constant true
        %broadcast_in_dim3A_224 = vector.broadcast %broadcast_in_dim3A_223 : i1 to vector<16xi1>
        %masked_cumsum3A = tpu.scan <sum>, %convert_element_type3A_222 masked %broadcast_in_dim3A_224 : vector<16xi32>, vector<16xi1> -> vector<16xi32>
        %add3A_225 = arith.addi %while3A_175, %masked_cumsum3A : vector<16xi32>
        %sub3A_226 = arith.constant 1 : i32
        %sub3A_227 = vector.broadcast %sub3A_226 : i32 to vector<16xi32>
        %sub3A_228 = arith.subi %add3A_225, %sub3A_227 : vector<16xi32>
        %jit3A_229 = arith.constant 0 : i32
        %broadcast_in_dim3A_230 = vector.broadcast %jit3A_229 : i32 to vector<16xi32>
        %select_n3A_231 = arith.select %and3A_218, %sub3A_228, %broadcast_in_dim3A_230 : vector<16xi1>, vector<16xi32>
        %add3A_232 = vector.broadcast %mul3A_2 : i32 to vector<16xi32>
        %add3A_233 = arith.addi %shift_right_logical3A_212, %add3A_232 : vector<16xi32>
        %jit3A_234 = arith.constant 0 : i32
        %broadcast_in_dim3A_235 = vector.broadcast %jit3A_234 : i32 to vector<16xi32>
        %select_n3A_236 = arith.select %and3A_218, %add3A_233, %broadcast_in_dim3A_235 : vector<16xi1>, vector<16xi32>
        tpu.vector_store_idx %arg8[%select_n3A_231], %select_n3A_236 masked %and3A_218 : memref<16384xi32, #tpu.memory_space<vmem>>[vector<16xi32>], vector<16xi32>, vector<16xi1>
        %shift_right_logical3A_237 = arith.constant 7 : i32
        %shift_right_logical3A_238 = vector.broadcast %shift_right_logical3A_237 : i32 to vector<16xi32>
        %shift_right_logical3A_239 = arith.shrui %select_n3A_231, %shift_right_logical3A_238 : vector<16xi32>
        %and3A_240 = arith.constant 127 : i32
        %and3A_241 = vector.broadcast %and3A_240 : i32 to vector<16xi32>
        %and3A_242 = arith.andi %select_n3A_231, %and3A_241 : vector<16xi32>
        tpu.vector_store_idx %arg9[%shift_right_logical3A_239, %and3A_242], %select_n3A_236 masked %and3A_218 : memref<128x128xi32, #tpu.memory_space<vmem>>[vector<16xi32>, vector<16xi32>], vector<16xi32>, vector<16xi1>
        %all_reduce_population_count3A = tpu.all_reduce %and3A_218 {dim = 0 : i64, kind = #tpu.reduction_kind<sum>} : vector<16xi1> -> vector<16xi32>
        %add3A_243 = arith.addi %while3A_175, %all_reduce_population_count3A : vector<16xi32>
        scf.yield %add3A_243 : vector<16xi32>
      }
      %mul3A_101 = arith.constant 125 : i32
      %mul3A_102 = arith.muli %add3A_64, %mul3A_101 : i32
      %add3A_103 = arith.addi %mul3A_2, %mul3A_102 : i32
      %dma_wait3A_104 = arith.constant 0 : i32
      %dma_wait3A_105 = tpu.memref_slice %arg5[%add3A_103, %dma_wait3A_104] : memref<1000000x64xf32, #tpu.memory_space<hbm>> -> memref<125x64xf32, #tpu.memory_space<hbm>>
      %dma_wait3A_106 = arith.constant 0 : i32
      %dma_wait3A_107 = arith.constant 0 : i32
      %dma_wait3A_108 = tpu.memref_slice %arg13[%arg1, %dma_wait3A_106, %dma_wait3A_107] : memref<16x125x64xf32, #tpu.memory_space<vmem_shared>> -> memref<1x125x64xf32, #tpu.memory_space<vmem_shared>>
      %dma_wait3A_109 = tpu.memref_squeeze %dma_wait3A_108 : memref<1x125x64xf32, #tpu.memory_space<vmem_shared>> -> memref<125x64xf32, #tpu.memory_space<vmem_shared>>
      tpu.wait_dma2 semaphore(%arg17 : memref<!tpu.dma_semaphore, #tpu.memory_space<semaphore_mem>>) src(%dma_wait3A_109 : memref<125x64xf32, #tpu.memory_space<vmem_shared>>) dst(%dma_wait3A_105 : memref<125x64xf32, #tpu.memory_space<hbm>>)
      %add3A_110 = arith.constant 2 : i32
      %add3A_111 = arith.addi %add3A_64, %add3A_110 : i32
      %lt3A = arith.constant 250 : i32
      %lt3A_112 = arith.cmpi slt, %add3A_111, %lt3A : i32
      %convert_element_type3A_113 = arith.extui %lt3A_112 : i1 to i32
      %cond3A_114 = arith.constant 0 : i32
      %cond3A_115 = arith.cmpi ne, %convert_element_type3A_113, %cond3A_114 : i32
      scf.if %cond3A_115 {
        %add3A_174 = arith.constant 2 : i32
        %add3A_175 = arith.addi %add3A_64, %add3A_174 : i32
        %mul3A_176 = arith.constant 125 : i32
        %mul3A_177 = arith.muli %add3A_175, %mul3A_176 : i32
        %add3A_178 = arith.addi %mul3A_2, %mul3A_177 : i32
        %dma_start3A_179 = arith.constant 0 : i32
        %dma_start3A_180 = arith.constant 0 : i32
        %dma_start3A_181 = tpu.memref_slice %arg13[%arg1, %dma_start3A_179, %dma_start3A_180] : memref<16x125x64xf32, #tpu.memory_space<vmem_shared>> -> memref<1x125x64xf32, #tpu.memory_space<vmem_shared>>
        %dma_start3A_182 = tpu.memref_squeeze %dma_start3A_181 : memref<1x125x64xf32, #tpu.memory_space<vmem_shared>> -> memref<125x64xf32, #tpu.memory_space<vmem_shared>>
        %dma_start3A_183 = arith.constant 0 : i32
        %dma_start3A_184 = tpu.memref_slice %arg2[%add3A_178, %dma_start3A_183] : memref<1000000x64xf32, #tpu.memory_space<hbm>> -> memref<125x64xf32, #tpu.memory_space<hbm>>
        tpu.enqueue_dma source(%dma_start3A_184 : memref<125x64xf32, #tpu.memory_space<hbm>>) target(%dma_start3A_182 : memref<125x64xf32, #tpu.memory_space<vmem_shared>>) target_semaphore(%arg15 : memref<!tpu.dma_semaphore, #tpu.memory_space<semaphore_mem>>)
      } else {
      }
      %mul3A_116 = arith.constant 2 : i32
      %mul3A_117 = arith.muli %scan3A_59, %mul3A_116 : i32
      %add3A_118 = arith.constant 1 : i32
      %add3A_119 = arith.addi %mul3A_117, %add3A_118 : i32
      %mul3A_120 = arith.constant 125 : i32
      %mul3A_121 = arith.muli %add3A_119, %mul3A_120 : i32
      %add3A_122 = arith.addi %mul3A_2, %mul3A_121 : i32
      %dma_wait3A_123 = arith.constant 0 : i32
      %dma_wait3A_124 = arith.constant 0 : i32
      %dma_wait3A_125 = tpu.memref_slice %arg14[%arg1, %dma_wait3A_123, %dma_wait3A_124] : memref<16x125x64xf32, #tpu.memory_space<vmem_shared>> -> memref<1x125x64xf32, #tpu.memory_space<vmem_shared>>
      %dma_wait3A_126 = tpu.memref_squeeze %dma_wait3A_125 : memref<1x125x64xf32, #tpu.memory_space<vmem_shared>> -> memref<125x64xf32, #tpu.memory_space<vmem_shared>>
      %dma_wait3A_127 = arith.constant 0 : i32
      %dma_wait3A_128 = tpu.memref_slice %arg2[%add3A_122, %dma_wait3A_127] : memref<1000000x64xf32, #tpu.memory_space<hbm>> -> memref<125x64xf32, #tpu.memory_space<hbm>>
      tpu.wait_dma2 semaphore(%arg16 : memref<!tpu.dma_semaphore, #tpu.memory_space<semaphore_mem>>) src(%dma_wait3A_128 : memref<125x64xf32, #tpu.memory_space<hbm>>) dst(%dma_wait3A_126 : memref<125x64xf32, #tpu.memory_space<vmem_shared>>)
      %mul3A_129 = arith.constant 125 : i32
      %mul3A_130 = arith.muli %add3A_119, %mul3A_129 : i32
      %add3A_131 = arith.addi %mul3A_2, %mul3A_130 : i32
      %dma_start3A_132 = arith.constant 0 : i32
      %dma_start3A_133 = tpu.memref_slice %arg5[%add3A_131, %dma_start3A_132] : memref<1000000x64xf32, #tpu.memory_space<hbm>> -> memref<125x64xf32, #tpu.memory_space<hbm>>
      %dma_start3A_134 = arith.constant 0 : i32
      %dma_start3A_135 = arith.constant 0 : i32
      %dma_start3A_136 = tpu.memref_slice %arg14[%arg1, %dma_start3A_134, %dma_start3A_135] : memref<16x125x64xf32, #tpu.memory_space<vmem_shared>> -> memref<1x125x64xf32, #tpu.memory_space<vmem_shared>>
      %dma_start3A_137 = tpu.memref_squeeze %dma_start3A_136 : memref<1x125x64xf32, #tpu.memory_space<vmem_shared>> -> memref<125x64xf32, #tpu.memory_space<vmem_shared>>
      tpu.enqueue_dma source(%dma_start3A_137 : memref<125x64xf32, #tpu.memory_space<vmem_shared>>) target(%dma_start3A_133 : memref<125x64xf32, #tpu.memory_space<hbm>>) target_semaphore(%arg18 : memref<!tpu.dma_semaphore, #tpu.memory_space<semaphore_mem>>)
      %mul3A_138 = arith.constant 5 : i32
      %mul3A_139 = arith.muli %add3A_119, %mul3A_138 : i32
      %min3A_140 = arith.constant 1024 : i32
      %min3A_141 = arith.minsi %mul3A_139, %min3A_140 : i32
      %add3A_142 = arith.constant 1 : i32
      %add3A_143 = arith.addi %add3A_119, %add3A_142 : i32
      %mul3A_144 = arith.constant 5 : i32
      %mul3A_145 = arith.muli %add3A_143, %mul3A_144 : i32
      %min3A_146 = arith.constant 1024 : i32
      %min3A_147 = arith.minsi %mul3A_145, %min3A_146 : i32
      %while3A_148 = arith.subi %min3A_147, %min3A_141 : i32
      %while3A_149 = arith.addi %min3A_141, %while3A_148 : i32
      %while3A_150 = arith.constant 1 : i32
      %while3A_151 = arith.divsi %while3A_148, %while3A_150 : i32
      %while3A_152 = arith.muli %while3A_151, %while3A_150 : i32
      %while3A_153 = arith.addi %min3A_141, %while3A_152 : i32
      %while3A_154 = arith.constant 1 : i32
      %while3A_155 = scf.for %while3A_174 = %min3A_141 to %while3A_153 step %while3A_154 iter_args(%while3A_175 = %while3A_100) -> (vector<16xi32>)  : i32 {
        %mul3A_176 = arith.constant 16 : i32
        %mul3A_177 = arith.muli %while3A_174, %mul3A_176 : i32
        %add3A_178 = vector.broadcast %mul3A_177 : i32 to vector<16xi32>
        %add3A_179 = arith.addi %add3A_178, %iota3A : vector<16xi32>
        %mul3A_180 = arith.constant 16 : i32
        %mul3A_181 = arith.muli %while3A_174, %mul3A_180 : i32
        %get3A = arith.index_cast %mul3A_181 : i32 to index
        %get3A_182 = tpu.vector_load %arg6[%get3A] {strides = array<i32>} : memref<16384xi32, #tpu.memory_space<vmem>>, vector<16xi32>,
        %ge3A = vector.broadcast %mul3A_2 : i32 to vector<16xi32>
        %ge3A_183 = arith.cmpi sge, %get3A_182, %ge3A : vector<16xi32>
        %add3A_184 = arith.constant 31250 : i32
        %add3A_185 = arith.addi %mul3A_2, %add3A_184 : i32
        %lt3A_186 = vector.broadcast %add3A_185 : i32 to vector<16xi32>
        %lt3A_187 = arith.cmpi slt, %get3A_182, %lt3A_186 : vector<16xi32>
        %and3A = arith.andi %ge3A_183, %lt3A_187 : vector<16xi1>
        %sub3A = vector.broadcast %mul3A_2 : i32 to vector<16xi32>
        %sub3A_188 = arith.subi %get3A_182, %sub3A : vector<16xi32>
        %mul3A_189 = arith.constant 16 : i32
        %mul3A_190 = vector.broadcast %mul3A_189 : i32 to vector<16xi32>
        %mul3A_191 = arith.muli %sub3A_188, %mul3A_190 : vector<16xi32>
        %add3A_192 = arith.addi %mul3A_191, %iota3A : vector<16xi32>
        %jit3A = arith.constant 2130706432 : i32
        %broadcast_in_dim3A_193 = vector.broadcast %jit3A : i32 to vector<16xi32>
        %select_n3A = arith.select %and3A, %add3A_192, %broadcast_in_dim3A_193 : vector<16xi1>, vector<16xi32>
        %masked_sort3A = arith.constant dense<true> : vector<16xi1>
        %masked_sort3A_194 = arith.constant -2147483648 : i32
        %masked_sort3A_195 = vector.broadcast %masked_sort3A_194 : i32 to vector<16xi32>
        %masked_sort3A_196 = arith.xori %select_n3A, %masked_sort3A_195 : vector<16xi32>
        %masked_sort3A_197, %masked_sort3A_198, %masked_sort3A_199 = tpu.sort %masked_sort3A_196, %add3A_179 masked %masked_sort3A : (vector<16xi32>, vector<16xi32>, vector<16xi1>) -> (vector<16xi1>, vector<16xi32>, vector<16xi32>)
        %masked_sort3A_200 = arith.xori %masked_sort3A_198, %masked_sort3A_195 : vector<16xi32>
        %swap3A = arith.constant 0 : index
        %swap3A_201 = tpu.vector_load %arg12[%swap3A] {strides = array<i32>} : memref<16xi32, #tpu.memory_space<vmem>>, vector<16xi32>,
        tpu.vector_store %arg12[%swap3A], %masked_sort3A_200 {strides = array<i32>} : memref<16xi32, #tpu.memory_space<vmem>>, vector<16xi32>,
        %add3A_202 = arith.constant 1 : i32
        %add3A_203 = vector.broadcast %add3A_202 : i32 to vector<16xi32>
        %add3A_204 = arith.addi %iota3A, %add3A_203 : vector<16xi32>
        %min3A_205 = arith.constant 15 : i32
        %min3A_206 = vector.broadcast %min3A_205 : i32 to vector<16xi32>
        %min3A_207 = arith.minsi %add3A_204, %min3A_206 : vector<16xi32>
        %gather3A = tpu.vector_load_idx %arg12[%min3A_207] : memref<16xi32, #tpu.memory_space<vmem>>[vector<16xi32>], vector<16xi32>,
        %lt3A_208 = arith.constant 2130706432 : i32
        %lt3A_209 = vector.broadcast %lt3A_208 : i32 to vector<16xi32>
        %lt3A_210 = arith.cmpi slt, %masked_sort3A_200, %lt3A_209 : vector<16xi32>
        %shift_right_logical3A = arith.constant 4 : i32
        %shift_right_logical3A_211 = vector.broadcast %shift_right_logical3A : i32 to vector<16xi32>
        %shift_right_logical3A_212 = arith.shrui %masked_sort3A_200, %shift_right_logical3A_211 : vector<16xi32>
        %eq3A = arith.constant 15 : i32
        %eq3A_213 = vector.broadcast %eq3A : i32 to vector<16xi32>
        %eq3A_214 = arith.cmpi eq, %iota3A, %eq3A_213 : vector<16xi32>
        %shift_right_logical3A_215 = arith.constant 4 : i32
        %shift_right_logical3A_216 = vector.broadcast %shift_right_logical3A_215 : i32 to vector<16xi32>
        %shift_right_logical3A_217 = arith.shrui %gather3A, %shift_right_logical3A_216 : vector<16xi32>
        %ne3A = arith.cmpi ne, %shift_right_logical3A_217, %shift_right_logical3A_212 : vector<16xi32>
        %or3A = arith.ori %eq3A_214, %ne3A : vector<16xi1>
        %and3A_218 = arith.andi %lt3A_210, %or3A : vector<16xi1>
        %jit3A_219 = arith.constant 0 : i32
        %broadcast_in_dim3A_220 = vector.broadcast %jit3A_219 : i32 to vector<16xi32>
        %select_n3A_221 = arith.select %and3A_218, %shift_right_logical3A_212, %broadcast_in_dim3A_220 : vector<16xi1>, vector<16xi32>
        tpu.vector_store_idx %arg7[%select_n3A_221], %masked_sort3A_199 masked %and3A_218 : memref<31250xi32, #tpu.memory_space<vmem>>[vector<16xi32>], vector<16xi32>, vector<16xi1>
        %convert_element_type3A_222 = arith.extui %and3A_218 : vector<16xi1> to vector<16xi32>
        %broadcast_in_dim3A_223 = arith.constant true
        %broadcast_in_dim3A_224 = vector.broadcast %broadcast_in_dim3A_223 : i1 to vector<16xi1>
        %masked_cumsum3A = tpu.scan <sum>, %convert_element_type3A_222 masked %broadcast_in_dim3A_224 : vector<16xi32>, vector<16xi1> -> vector<16xi32>
        %add3A_225 = arith.addi %while3A_175, %masked_cumsum3A : vector<16xi32>
        %sub3A_226 = arith.constant 1 : i32
        %sub3A_227 = vector.broadcast %sub3A_226 : i32 to vector<16xi32>
        %sub3A_228 = arith.subi %add3A_225, %sub3A_227 : vector<16xi32>
        %jit3A_229 = arith.constant 0 : i32
        %broadcast_in_dim3A_230 = vector.broadcast %jit3A_229 : i32 to vector<16xi32>
        %select_n3A_231 = arith.select %and3A_218, %sub3A_228, %broadcast_in_dim3A_230 : vector<16xi1>, vector<16xi32>
        %add3A_232 = vector.broadcast %mul3A_2 : i32 to vector<16xi32>
        %add3A_233 = arith.addi %shift_right_logical3A_212, %add3A_232 : vector<16xi32>
        %jit3A_234 = arith.constant 0 : i32
        %broadcast_in_dim3A_235 = vector.broadcast %jit3A_234 : i32 to vector<16xi32>
        %select_n3A_236 = arith.select %and3A_218, %add3A_233, %broadcast_in_dim3A_235 : vector<16xi1>, vector<16xi32>
        tpu.vector_store_idx %arg8[%select_n3A_231], %select_n3A_236 masked %and3A_218 : memref<16384xi32, #tpu.memory_space<vmem>>[vector<16xi32>], vector<16xi32>, vector<16xi1>
        %shift_right_logical3A_237 = arith.constant 7 : i32
        %shift_right_logical3A_238 = vector.broadcast %shift_right_logical3A_237 : i32 to vector<16xi32>
        %shift_right_logical3A_239 = arith.shrui %select_n3A_231, %shift_right_logical3A_238 : vector<16xi32>
        %and3A_240 = arith.constant 127 : i32
        %and3A_241 = vector.broadcast %and3A_240 : i32 to vector<16xi32>
        %and3A_242 = arith.andi %select_n3A_231, %and3A_241 : vector<16xi32>
        tpu.vector_store_idx %arg9[%shift_right_logical3A_239, %and3A_242], %select_n3A_236 masked %and3A_218 : memref<128x128xi32, #tpu.memory_space<vmem>>[vector<16xi32>, vector<16xi32>], vector<16xi32>, vector<16xi1>
        %all_reduce_population_count3A = tpu.all_reduce %and3A_218 {dim = 0 : i64, kind = #tpu.reduction_kind<sum>} : vector<16xi1> -> vector<16xi32>
        %add3A_243 = arith.addi %while3A_175, %all_reduce_population_count3A : vector<16xi32>
        scf.yield %add3A_243 : vector<16xi32>
      }
      %while3A_156 = arith.constant 1 : i32
      %while3A_157 = scf.for %while3A_174 = %while3A_153 to %while3A_149 step %while3A_156 iter_args(%while3A_175 = %while3A_155) -> (vector<16xi32>)  : i32 {
        %mul3A_176 = arith.constant 16 : i32
        %mul3A_177 = arith.muli %while3A_174, %mul3A_176 : i32
        %add3A_178 = vector.broadcast %mul3A_177 : i32 to vector<16xi32>
        %add3A_179 = arith.addi %add3A_178, %iota3A : vector<16xi32>
        %mul3A_180 = arith.constant 16 : i32
        %mul3A_181 = arith.muli %while3A_174, %mul3A_180 : i32
        %get3A = arith.index_cast %mul3A_181 : i32 to index
        %get3A_182 = tpu.vector_load %arg6[%get3A] {strides = array<i32>} : memref<16384xi32, #tpu.memory_space<vmem>>, vector<16xi32>,
        %ge3A = vector.broadcast %mul3A_2 : i32 to vector<16xi32>
        %ge3A_183 = arith.cmpi sge, %get3A_182, %ge3A : vector<16xi32>
        %add3A_184 = arith.constant 31250 : i32
        %add3A_185 = arith.addi %mul3A_2, %add3A_184 : i32
        %lt3A_186 = vector.broadcast %add3A_185 : i32 to vector<16xi32>
        %lt3A_187 = arith.cmpi slt, %get3A_182, %lt3A_186 : vector<16xi32>
        %and3A = arith.andi %ge3A_183, %lt3A_187 : vector<16xi1>
        %sub3A = vector.broadcast %mul3A_2 : i32 to vector<16xi32>
        %sub3A_188 = arith.subi %get3A_182, %sub3A : vector<16xi32>
        %mul3A_189 = arith.constant 16 : i32
        %mul3A_190 = vector.broadcast %mul3A_189 : i32 to vector<16xi32>
        %mul3A_191 = arith.muli %sub3A_188, %mul3A_190 : vector<16xi32>
        %add3A_192 = arith.addi %mul3A_191, %iota3A : vector<16xi32>
        %jit3A = arith.constant 2130706432 : i32
        %broadcast_in_dim3A_193 = vector.broadcast %jit3A : i32 to vector<16xi32>
        %select_n3A = arith.select %and3A, %add3A_192, %broadcast_in_dim3A_193 : vector<16xi1>, vector<16xi32>
        %masked_sort3A = arith.constant dense<true> : vector<16xi1>
        %masked_sort3A_194 = arith.constant -2147483648 : i32
        %masked_sort3A_195 = vector.broadcast %masked_sort3A_194 : i32 to vector<16xi32>
        %masked_sort3A_196 = arith.xori %select_n3A, %masked_sort3A_195 : vector<16xi32>
        %masked_sort3A_197, %masked_sort3A_198, %masked_sort3A_199 = tpu.sort %masked_sort3A_196, %add3A_179 masked %masked_sort3A : (vector<16xi32>, vector<16xi32>, vector<16xi1>) -> (vector<16xi1>, vector<16xi32>, vector<16xi32>)
        %masked_sort3A_200 = arith.xori %masked_sort3A_198, %masked_sort3A_195 : vector<16xi32>
        %swap3A = arith.constant 0 : index
        %swap3A_201 = tpu.vector_load %arg12[%swap3A] {strides = array<i32>} : memref<16xi32, #tpu.memory_space<vmem>>, vector<16xi32>,
        tpu.vector_store %arg12[%swap3A], %masked_sort3A_200 {strides = array<i32>} : memref<16xi32, #tpu.memory_space<vmem>>, vector<16xi32>,
        %add3A_202 = arith.constant 1 : i32
        %add3A_203 = vector.broadcast %add3A_202 : i32 to vector<16xi32>
        %add3A_204 = arith.addi %iota3A, %add3A_203 : vector<16xi32>
        %min3A_205 = arith.constant 15 : i32
        %min3A_206 = vector.broadcast %min3A_205 : i32 to vector<16xi32>
        %min3A_207 = arith.minsi %add3A_204, %min3A_206 : vector<16xi32>
        %gather3A = tpu.vector_load_idx %arg12[%min3A_207] : memref<16xi32, #tpu.memory_space<vmem>>[vector<16xi32>], vector<16xi32>,
        %lt3A_208 = arith.constant 2130706432 : i32
        %lt3A_209 = vector.broadcast %lt3A_208 : i32 to vector<16xi32>
        %lt3A_210 = arith.cmpi slt, %masked_sort3A_200, %lt3A_209 : vector<16xi32>
        %shift_right_logical3A = arith.constant 4 : i32
        %shift_right_logical3A_211 = vector.broadcast %shift_right_logical3A : i32 to vector<16xi32>
        %shift_right_logical3A_212 = arith.shrui %masked_sort3A_200, %shift_right_logical3A_211 : vector<16xi32>
        %eq3A = arith.constant 15 : i32
        %eq3A_213 = vector.broadcast %eq3A : i32 to vector<16xi32>
        %eq3A_214 = arith.cmpi eq, %iota3A, %eq3A_213 : vector<16xi32>
        %shift_right_logical3A_215 = arith.constant 4 : i32
        %shift_right_logical3A_216 = vector.broadcast %shift_right_logical3A_215 : i32 to vector<16xi32>
        %shift_right_logical3A_217 = arith.shrui %gather3A, %shift_right_logical3A_216 : vector<16xi32>
        %ne3A = arith.cmpi ne, %shift_right_logical3A_217, %shift_right_logical3A_212 : vector<16xi32>
        %or3A = arith.ori %eq3A_214, %ne3A : vector<16xi1>
        %and3A_218 = arith.andi %lt3A_210, %or3A : vector<16xi1>
        %jit3A_219 = arith.constant 0 : i32
        %broadcast_in_dim3A_220 = vector.broadcast %jit3A_219 : i32 to vector<16xi32>
        %select_n3A_221 = arith.select %and3A_218, %shift_right_logical3A_212, %broadcast_in_dim3A_220 : vector<16xi1>, vector<16xi32>
        tpu.vector_store_idx %arg7[%select_n3A_221], %masked_sort3A_199 masked %and3A_218 : memref<31250xi32, #tpu.memory_space<vmem>>[vector<16xi32>], vector<16xi32>, vector<16xi1>
        %convert_element_type3A_222 = arith.extui %and3A_218 : vector<16xi1> to vector<16xi32>
        %broadcast_in_dim3A_223 = arith.constant true
        %broadcast_in_dim3A_224 = vector.broadcast %broadcast_in_dim3A_223 : i1 to vector<16xi1>
        %masked_cumsum3A = tpu.scan <sum>, %convert_element_type3A_222 masked %broadcast_in_dim3A_224 : vector<16xi32>, vector<16xi1> -> vector<16xi32>
        %add3A_225 = arith.addi %while3A_175, %masked_cumsum3A : vector<16xi32>
        %sub3A_226 = arith.constant 1 : i32
        %sub3A_227 = vector.broadcast %sub3A_226 : i32 to vector<16xi32>
        %sub3A_228 = arith.subi %add3A_225, %sub3A_227 : vector<16xi32>
        %jit3A_229 = arith.constant 0 : i32
        %broadcast_in_dim3A_230 = vector.broadcast %jit3A_229 : i32 to vector<16xi32>
        %select_n3A_231 = arith.select %and3A_218, %sub3A_228, %broadcast_in_dim3A_230 : vector<16xi1>, vector<16xi32>
        %add3A_232 = vector.broadcast %mul3A_2 : i32 to vector<16xi32>
        %add3A_233 = arith.addi %shift_right_logical3A_212, %add3A_232 : vector<16xi32>
        %jit3A_234 = arith.constant 0 : i32
        %broadcast_in_dim3A_235 = vector.broadcast %jit3A_234 : i32 to vector<16xi32>
        %select_n3A_236 = arith.select %and3A_218, %add3A_233, %broadcast_in_dim3A_235 : vector<16xi1>, vector<16xi32>
        tpu.vector_store_idx %arg8[%select_n3A_231], %select_n3A_236 masked %and3A_218 : memref<16384xi32, #tpu.memory_space<vmem>>[vector<16xi32>], vector<16xi32>, vector<16xi1>
        %shift_right_logical3A_237 = arith.constant 7 : i32
        %shift_right_logical3A_238 = vector.broadcast %shift_right_logical3A_237 : i32 to vector<16xi32>
        %shift_right_logical3A_239 = arith.shrui %select_n3A_231, %shift_right_logical3A_238 : vector<16xi32>
        %and3A_240 = arith.constant 127 : i32
        %and3A_241 = vector.broadcast %and3A_240 : i32 to vector<16xi32>
        %and3A_242 = arith.andi %select_n3A_231, %and3A_241 : vector<16xi32>
        tpu.vector_store_idx %arg9[%shift_right_logical3A_239, %and3A_242], %select_n3A_236 masked %and3A_218 : memref<128x128xi32, #tpu.memory_space<vmem>>[vector<16xi32>, vector<16xi32>], vector<16xi32>, vector<16xi1>
        %all_reduce_population_count3A = tpu.all_reduce %and3A_218 {dim = 0 : i64, kind = #tpu.reduction_kind<sum>} : vector<16xi1> -> vector<16xi32>
        %add3A_243 = arith.addi %while3A_175, %all_reduce_population_count3A : vector<16xi32>
        scf.yield %add3A_243 : vector<16xi32>
      }
      %mul3A_158 = arith.constant 125 : i32
      %mul3A_159 = arith.muli %add3A_119, %mul3A_158 : i32
      %add3A_160 = arith.addi %mul3A_2, %mul3A_159 : i32
      %dma_wait3A_161 = arith.constant 0 : i32
      %dma_wait3A_162 = tpu.memref_slice %arg5[%add3A_160, %dma_wait3A_161] : memref<1000000x64xf32, #tpu.memory_space<hbm>> -> memref<125x64xf32, #tpu.memory_space<hbm>>
      %dma_wait3A_163 = arith.constant 0 : i32
      %dma_wait3A_164 = arith.constant 0 : i32
      %dma_wait3A_165 = tpu.memref_slice %arg14[%arg1, %dma_wait3A_163, %dma_wait3A_164] : memref<16x125x64xf32, #tpu.memory_space<vmem_shared>> -> memref<1x125x64xf32, #tpu.memory_space<vmem_shared>>
      %dma_wait3A_166 = tpu.memref_squeeze %dma_wait3A_165 : memref<1x125x64xf32, #tpu.memory_space<vmem_shared>> -> memref<125x64xf32, #tpu.memory_space<vmem_shared>>
      tpu.wait_dma2 semaphore(%arg18 : memref<!tpu.dma_semaphore, #tpu.memory_space<semaphore_mem>>) src(%dma_wait3A_166 : memref<125x64xf32, #tpu.memory_space<vmem_shared>>) dst(%dma_wait3A_162 : memref<125x64xf32, #tpu.memory_space<hbm>>)
      %add3A_167 = arith.constant 2 : i32
      %add3A_168 = arith.addi %add3A_119, %add3A_167 : i32
      %lt3A_169 = arith.constant 250 : i32
      %lt3A_170 = arith.cmpi slt, %add3A_168, %lt3A_169 : i32
      %convert_element_type3A_171 = arith.extui %lt3A_170 : i1 to i32
      %cond3A_172 = arith.constant 0 : i32
      %cond3A_173 = arith.cmpi ne, %convert_element_type3A_171, %cond3A_172 : i32
      scf.if %cond3A_173 {
        %add3A_174 = arith.constant 2 : i32
        %add3A_175 = arith.addi %add3A_119, %add3A_174 : i32
        %mul3A_176 = arith.constant 125 : i32
        %mul3A_177 = arith.muli %add3A_175, %mul3A_176 : i32
        %add3A_178 = arith.addi %mul3A_2, %mul3A_177 : i32
        %dma_start3A_179 = arith.constant 0 : i32
        %dma_start3A_180 = arith.constant 0 : i32
        %dma_start3A_181 = tpu.memref_slice %arg14[%arg1, %dma_start3A_179, %dma_start3A_180] : memref<16x125x64xf32, #tpu.memory_space<vmem_shared>> -> memref<1x125x64xf32, #tpu.memory_space<vmem_shared>>
        %dma_start3A_182 = tpu.memref_squeeze %dma_start3A_181 : memref<1x125x64xf32, #tpu.memory_space<vmem_shared>> -> memref<125x64xf32, #tpu.memory_space<vmem_shared>>
        %dma_start3A_183 = arith.constant 0 : i32
        %dma_start3A_184 = tpu.memref_slice %arg2[%add3A_178, %dma_start3A_183] : memref<1000000x64xf32, #tpu.memory_space<hbm>> -> memref<125x64xf32, #tpu.memory_space<hbm>>
        tpu.enqueue_dma source(%dma_start3A_184 : memref<125x64xf32, #tpu.memory_space<hbm>>) target(%dma_start3A_182 : memref<125x64xf32, #tpu.memory_space<vmem_shared>>) target_semaphore(%arg16 : memref<!tpu.dma_semaphore, #tpu.memory_space<semaphore_mem>>)
      } else {
      }
      scf.yield %while3A_157 : vector<16xi32>
    }
    %scan3A_23 = arith.constant 125 : i32
    %reduce_max3A = arith.constant true
    %reduce_max3A_24 = vector.broadcast %reduce_max3A : i1 to vector<16xi1>
    %reduce_max3A_25 = arith.constant -2147483648 : i32
    %reduce_max3A_26 = vector.broadcast %reduce_max3A_25 : i32 to vector<16xi32>
    %reduce_max3A_27 = arith.xori %scan3A_22, %reduce_max3A_26 : vector<16xi32>
    %reduce_max3A_28 = tpu.scan <max>, %reduce_max3A_27 masked %reduce_max3A_24 : vector<16xi32>, vector<16xi1> -> vector<16xi32>
    %reduce_max3A_29 = arith.xori %reduce_max3A_28, %reduce_max3A_26 : vector<16xi32>
    %reduce_max3A_30 = vector.extract %reduce_max3A_29[15] : i32 from vector<16xi32>
    %add3A_31 = arith.constant 15 : i32
    %add3A_32 = arith.addi %reduce_max3A_30, %add3A_31 : i32
    %shift_right_arithmetic3A = arith.constant 4 : i32
    %shift_right_arithmetic3A_33 = arith.shrsi %add3A_32, %shift_right_arithmetic3A : i32
    %while3A = arith.constant 0 : i32
    %while3A_34 = arith.constant 0 : i32
    %while3A_35 = arith.subi %shift_right_arithmetic3A_33, %while3A_34 : i32
    %while3A_36 = arith.addi %while3A_34, %while3A_35 : i32
    %while3A_37 = arith.constant 1 : i32
    %while3A_38 = arith.divsi %while3A_35, %while3A_37 : i32
    %while3A_39 = arith.muli %while3A_38, %while3A_37 : i32
    %while3A_40 = arith.addi %while3A_34, %while3A_39 : i32
    %while3A_41 = arith.constant 1 : i32
    scf.for %while3A_59 = %while3A_34 to %while3A_40 step %while3A_41  : i32 {
      %mul3A_60 = arith.constant 16 : i32
      %mul3A_61 = arith.muli %while3A_59, %mul3A_60 : i32
      %add3A_62 = vector.broadcast %mul3A_61 : i32 to vector<16xi32>
      %add3A_63 = arith.addi %add3A_62, %iota3A : vector<16xi32>
      %lt3A = vector.broadcast %reduce_max3A_30 : i32 to vector<16xi32>
      %lt3A_64 = arith.cmpi slt, %add3A_63, %lt3A : vector<16xi32>
      %mul3A_65 = arith.constant 16 : i32
      %mul3A_66 = arith.muli %while3A_59, %mul3A_65 : i32
      %get3A = arith.index_cast %mul3A_66 : i32 to index
      %get3A_67 = tpu.vector_load %arg8[%get3A] {strides = array<i32>} : memref<16384xi32, #tpu.memory_space<vmem>>, vector<16xi32>,
      %sub3A = vector.broadcast %mul3A_2 : i32 to vector<16xi32>
      %sub3A_68 = arith.subi %get3A_67, %sub3A : vector<16xi32>
      %jit3A = arith.constant 0 : i32
      %broadcast_in_dim3A_69 = vector.broadcast %jit3A : i32 to vector<16xi32>
      %select_n3A = arith.select %lt3A_64, %sub3A_68, %broadcast_in_dim3A_69 : vector<16xi1>, vector<16xi32>
      %gather3A = tpu.vector_load_idx %arg7[%select_n3A] masked %lt3A_64 : memref<31250xi32, #tpu.memory_space<vmem>>[vector<16xi32>], vector<16xi32>, vector<16xi1>
      %jit3A_70 = arith.constant 0 : i32
      %broadcast_in_dim3A_71 = vector.broadcast %jit3A_70 : i32 to vector<16xi32>
      %select_n3A_72 = arith.select %lt3A_64, %add3A_63, %broadcast_in_dim3A_71 : vector<16xi1>, vector<16xi32>
      %shift_right_logical3A = arith.constant 7 : i32
      %shift_right_logical3A_73 = vector.broadcast %shift_right_logical3A : i32 to vector<16xi32>
      %shift_right_logical3A_74 = arith.shrui %select_n3A_72, %shift_right_logical3A_73 : vector<16xi32>
      %and3A = arith.constant 127 : i32
      %and3A_75 = vector.broadcast %and3A : i32 to vector<16xi32>
      %and3A_76 = arith.andi %select_n3A_72, %and3A_75 : vector<16xi32>
      tpu.vector_store_idx %arg10[%shift_right_logical3A_74, %and3A_76], %gather3A masked %lt3A_64 : memref<128x128xi32, #tpu.memory_space<vmem>>[vector<16xi32>, vector<16xi32>], vector<16xi32>, vector<16xi1>
    }
    %while3A_42 = arith.constant 1 : i32
    scf.for %while3A_59 = %while3A_40 to %while3A_36 step %while3A_42  : i32 {
      %mul3A_60 = arith.constant 16 : i32
      %mul3A_61 = arith.muli %while3A_59, %mul3A_60 : i32
      %add3A_62 = vector.broadcast %mul3A_61 : i32 to vector<16xi32>
      %add3A_63 = arith.addi %add3A_62, %iota3A : vector<16xi32>
      %lt3A = vector.broadcast %reduce_max3A_30 : i32 to vector<16xi32>
      %lt3A_64 = arith.cmpi slt, %add3A_63, %lt3A : vector<16xi32>
      %mul3A_65 = arith.constant 16 : i32
      %mul3A_66 = arith.muli %while3A_59, %mul3A_65 : i32
      %get3A = arith.index_cast %mul3A_66 : i32 to index
      %get3A_67 = tpu.vector_load %arg8[%get3A] {strides = array<i32>} : memref<16384xi32, #tpu.memory_space<vmem>>, vector<16xi32>,
      %sub3A = vector.broadcast %mul3A_2 : i32 to vector<16xi32>
      %sub3A_68 = arith.subi %get3A_67, %sub3A : vector<16xi32>
      %jit3A = arith.constant 0 : i32
      %broadcast_in_dim3A_69 = vector.broadcast %jit3A : i32 to vector<16xi32>
      %select_n3A = arith.select %lt3A_64, %sub3A_68, %broadcast_in_dim3A_69 : vector<16xi1>, vector<16xi32>
      %gather3A = tpu.vector_load_idx %arg7[%select_n3A] masked %lt3A_64 : memref<31250xi32, #tpu.memory_space<vmem>>[vector<16xi32>], vector<16xi32>, vector<16xi1>
      %jit3A_70 = arith.constant 0 : i32
      %broadcast_in_dim3A_71 = vector.broadcast %jit3A_70 : i32 to vector<16xi32>
      %select_n3A_72 = arith.select %lt3A_64, %add3A_63, %broadcast_in_dim3A_71 : vector<16xi1>, vector<16xi32>
      %shift_right_logical3A = arith.constant 7 : i32
      %shift_right_logical3A_73 = vector.broadcast %shift_right_logical3A : i32 to vector<16xi32>
      %shift_right_logical3A_74 = arith.shrui %select_n3A_72, %shift_right_logical3A_73 : vector<16xi32>
      %and3A = arith.constant 127 : i32
      %and3A_75 = vector.broadcast %and3A : i32 to vector<16xi32>
      %and3A_76 = arith.andi %select_n3A_72, %and3A_75 : vector<16xi32>
      tpu.vector_store_idx %arg10[%shift_right_logical3A_74, %and3A_76], %gather3A masked %lt3A_64 : memref<128x128xi32, #tpu.memory_space<vmem>>[vector<16xi32>, vector<16xi32>], vector<16xi32>, vector<16xi1>
    }
    %add3A_43 = arith.constant 127 : i32
    %add3A_44 = arith.addi %reduce_max3A_30, %add3A_43 : i32
    %shift_right_arithmetic3A_45 = arith.constant 7 : i32
    %shift_right_arithmetic3A_46 = arith.shrsi %add3A_44, %shift_right_arithmetic3A_45 : i32
    %gt3A = arith.constant 0 : i32
    %gt3A_47 = arith.cmpi sgt, %reduce_max3A_30, %gt3A : i32
    %convert_element_type3A = arith.extui %gt3A_47 : i1 to i32
    %cond3A = arith.constant 0 : i32
    %cond3A_48 = arith.cmpi ne, %convert_element_type3A, %cond3A : i32
    scf.if %cond3A_48 {
      %mul3A_59 = arith.constant 128 : i32
      %mul3A_60 = arith.muli %shift_right_arithmetic3A_46, %mul3A_59 : i32
      %gather3A = tpu.vector_load_idx %arg8[%broadcast_in_dim3A_18] : memref<16384xi32, #tpu.memory_space<vmem>>[vector<16xi32>], vector<16xi32>,
      %sub3A = vector.broadcast %mul3A_2 : i32 to vector<16xi32>
      %sub3A_61 = arith.subi %gather3A, %sub3A : vector<16xi32>
      %gather3A_62 = tpu.vector_load_idx %arg7[%sub3A_61] : memref<31250xi32, #tpu.memory_space<vmem>>[vector<16xi32>], vector<16xi32>,
      %add3A_63 = arith.constant 0 : i32
      %add3A_64 = arith.addi %reduce_max3A_30, %add3A_63 : i32
      %add3A_65 = vector.broadcast %add3A_64 : i32 to vector<16xi32>
      %add3A_66 = arith.addi %add3A_65, %iota3A : vector<16xi32>
      %lt3A = vector.broadcast %mul3A_60 : i32 to vector<16xi32>
      %lt3A_67 = arith.cmpi slt, %add3A_66, %lt3A : vector<16xi32>
      %jit3A = arith.constant 0 : i32
      %broadcast_in_dim3A_68 = vector.broadcast %jit3A : i32 to vector<16xi32>
      %select_n3A = arith.select %lt3A_67, %add3A_66, %broadcast_in_dim3A_68 : vector<16xi1>, vector<16xi32>
      %shift_right_logical3A = arith.constant 7 : i32
      %shift_right_logical3A_69 = vector.broadcast %shift_right_logical3A : i32 to vector<16xi32>
      %shift_right_logical3A_70 = arith.shrui %select_n3A, %shift_right_logical3A_69 : vector<16xi32>
      %and3A = arith.constant 127 : i32
      %and3A_71 = vector.broadcast %and3A : i32 to vector<16xi32>
      %and3A_72 = arith.andi %select_n3A, %and3A_71 : vector<16xi32>
      tpu.vector_store_idx %arg9[%shift_right_logical3A_70, %and3A_72], %gather3A masked %lt3A_67 : memref<128x128xi32, #tpu.memory_space<vmem>>[vector<16xi32>, vector<16xi32>], vector<16xi32>, vector<16xi1>
      tpu.vector_store_idx %arg10[%shift_right_logical3A_70, %and3A_72], %gather3A_62 masked %lt3A_67 : memref<128x128xi32, #tpu.memory_space<vmem>>[vector<16xi32>, vector<16xi32>], vector<16xi32>, vector<16xi1>
      %add3A_73 = arith.constant 16 : i32
      %add3A_74 = arith.addi %reduce_max3A_30, %add3A_73 : i32
      %add3A_75 = vector.broadcast %add3A_74 : i32 to vector<16xi32>
      %add3A_76 = arith.addi %add3A_75, %iota3A : vector<16xi32>
      %lt3A_77 = vector.broadcast %mul3A_60 : i32 to vector<16xi32>
      %lt3A_78 = arith.cmpi slt, %add3A_76, %lt3A_77 : vector<16xi32>
      %jit3A_79 = arith.constant 0 : i32
      %broadcast_in_dim3A_80 = vector.broadcast %jit3A_79 : i32 to vector<16xi32>
      %select_n3A_81 = arith.select %lt3A_78, %add3A_76, %broadcast_in_dim3A_80 : vector<16xi1>, vector<16xi32>
      %shift_right_logical3A_82 = arith.constant 7 : i32
      %shift_right_logical3A_83 = vector.broadcast %shift_right_logical3A_82 : i32 to vector<16xi32>
      %shift_right_logical3A_84 = arith.shrui %select_n3A_81, %shift_right_logical3A_83 : vector<16xi32>
      %and3A_85 = arith.constant 127 : i32
      %and3A_86 = vector.broadcast %and3A_85 : i32 to vector<16xi32>
      %and3A_87 = arith.andi %select_n3A_81, %and3A_86 : vector<16xi32>
      tpu.vector_store_idx %arg9[%shift_right_logical3A_84, %and3A_87], %gather3A masked %lt3A_78 : memref<128x128xi32, #tpu.memory_space<vmem>>[vector<16xi32>, vector<16xi32>], vector<16xi32>, vector<16xi1>
      tpu.vector_store_idx %arg10[%shift_right_logical3A_84, %and3A_87], %gather3A_62 masked %lt3A_78 : memref<128x128xi32, #tpu.memory_space<vmem>>[vector<16xi32>, vector<16xi32>], vector<16xi32>, vector<16xi1>
      %add3A_88 = arith.constant 32 : i32
      %add3A_89 = arith.addi %reduce_max3A_30, %add3A_88 : i32
      %add3A_90 = vector.broadcast %add3A_89 : i32 to vector<16xi32>
      %add3A_91 = arith.addi %add3A_90, %iota3A : vector<16xi32>
      %lt3A_92 = vector.broadcast %mul3A_60 : i32 to vector<16xi32>
      %lt3A_93 = arith.cmpi slt, %add3A_91, %lt3A_92 : vector<16xi32>
      %jit3A_94 = arith.constant 0 : i32
      %broadcast_in_dim3A_95 = vector.broadcast %jit3A_94 : i32 to vector<16xi32>
      %select_n3A_96 = arith.select %lt3A_93, %add3A_91, %broadcast_in_dim3A_95 : vector<16xi1>, vector<16xi32>
      %shift_right_logical3A_97 = arith.constant 7 : i32
      %shift_right_logical3A_98 = vector.broadcast %shift_right_logical3A_97 : i32 to vector<16xi32>
      %shift_right_logical3A_99 = arith.shrui %select_n3A_96, %shift_right_logical3A_98 : vector<16xi32>
      %and3A_100 = arith.constant 127 : i32
      %and3A_101 = vector.broadcast %and3A_100 : i32 to vector<16xi32>
      %and3A_102 = arith.andi %select_n3A_96, %and3A_101 : vector<16xi32>
      tpu.vector_store_idx %arg9[%shift_right_logical3A_99, %and3A_102], %gather3A masked %lt3A_93 : memref<128x128xi32, #tpu.memory_space<vmem>>[vector<16xi32>, vector<16xi32>], vector<16xi32>, vector<16xi1>
      tpu.vector_store_idx %arg10[%shift_right_logical3A_99, %and3A_102], %gather3A_62 masked %lt3A_93 : memref<128x128xi32, #tpu.memory_space<vmem>>[vector<16xi32>, vector<16xi32>], vector<16xi32>, vector<16xi1>
      %add3A_103 = arith.constant 48 : i32
      %add3A_104 = arith.addi %reduce_max3A_30, %add3A_103 : i32
      %add3A_105 = vector.broadcast %add3A_104 : i32 to vector<16xi32>
      %add3A_106 = arith.addi %add3A_105, %iota3A : vector<16xi32>
      %lt3A_107 = vector.broadcast %mul3A_60 : i32 to vector<16xi32>
      %lt3A_108 = arith.cmpi slt, %add3A_106, %lt3A_107 : vector<16xi32>
      %jit3A_109 = arith.constant 0 : i32
      %broadcast_in_dim3A_110 = vector.broadcast %jit3A_109 : i32 to vector<16xi32>
      %select_n3A_111 = arith.select %lt3A_108, %add3A_106, %broadcast_in_dim3A_110 : vector<16xi1>, vector<16xi32>
      %shift_right_logical3A_112 = arith.constant 7 : i32
      %shift_right_logical3A_113 = vector.broadcast %shift_right_logical3A_112 : i32 to vector<16xi32>
      %shift_right_logical3A_114 = arith.shrui %select_n3A_111, %shift_right_logical3A_113 : vector<16xi32>
      %and3A_115 = arith.constant 127 : i32
      %and3A_116 = vector.broadcast %and3A_115 : i32 to vector<16xi32>
      %and3A_117 = arith.andi %select_n3A_111, %and3A_116 : vector<16xi32>
      tpu.vector_store_idx %arg9[%shift_right_logical3A_114, %and3A_117], %gather3A masked %lt3A_108 : memref<128x128xi32, #tpu.memory_space<vmem>>[vector<16xi32>, vector<16xi32>], vector<16xi32>, vector<16xi1>
      tpu.vector_store_idx %arg10[%shift_right_logical3A_114, %and3A_117], %gather3A_62 masked %lt3A_108 : memref<128x128xi32, #tpu.memory_space<vmem>>[vector<16xi32>, vector<16xi32>], vector<16xi32>, vector<16xi1>
      %add3A_118 = arith.constant 64 : i32
      %add3A_119 = arith.addi %reduce_max3A_30, %add3A_118 : i32
      %add3A_120 = vector.broadcast %add3A_119 : i32 to vector<16xi32>
      %add3A_121 = arith.addi %add3A_120, %iota3A : vector<16xi32>
      %lt3A_122 = vector.broadcast %mul3A_60 : i32 to vector<16xi32>
      %lt3A_123 = arith.cmpi slt, %add3A_121, %lt3A_122 : vector<16xi32>
      %jit3A_124 = arith.constant 0 : i32
      %broadcast_in_dim3A_125 = vector.broadcast %jit3A_124 : i32 to vector<16xi32>
      %select_n3A_126 = arith.select %lt3A_123, %add3A_121, %broadcast_in_dim3A_125 : vector<16xi1>, vector<16xi32>
      %shift_right_logical3A_127 = arith.constant 7 : i32
      %shift_right_logical3A_128 = vector.broadcast %shift_right_logical3A_127 : i32 to vector<16xi32>
      %shift_right_logical3A_129 = arith.shrui %select_n3A_126, %shift_right_logical3A_128 : vector<16xi32>
      %and3A_130 = arith.constant 127 : i32
      %and3A_131 = vector.broadcast %and3A_130 : i32 to vector<16xi32>
      %and3A_132 = arith.andi %select_n3A_126, %and3A_131 : vector<16xi32>
      tpu.vector_store_idx %arg9[%shift_right_logical3A_129, %and3A_132], %gather3A masked %lt3A_123 : memref<128x128xi32, #tpu.memory_space<vmem>>[vector<16xi32>, vector<16xi32>], vector<16xi32>, vector<16xi1>
      tpu.vector_store_idx %arg10[%shift_right_logical3A_129, %and3A_132], %gather3A_62 masked %lt3A_123 : memref<128x128xi32, #tpu.memory_space<vmem>>[vector<16xi32>, vector<16xi32>], vector<16xi32>, vector<16xi1>
      %add3A_133 = arith.constant 80 : i32
      %add3A_134 = arith.addi %reduce_max3A_30, %add3A_133 : i32
      %add3A_135 = vector.broadcast %add3A_134 : i32 to vector<16xi32>
      %add3A_136 = arith.addi %add3A_135, %iota3A : vector<16xi32>
      %lt3A_137 = vector.broadcast %mul3A_60 : i32 to vector<16xi32>
      %lt3A_138 = arith.cmpi slt, %add3A_136, %lt3A_137 : vector<16xi32>
      %jit3A_139 = arith.constant 0 : i32
      %broadcast_in_dim3A_140 = vector.broadcast %jit3A_139 : i32 to vector<16xi32>
      %select_n3A_141 = arith.select %lt3A_138, %add3A_136, %broadcast_in_dim3A_140 : vector<16xi1>, vector<16xi32>
      %shift_right_logical3A_142 = arith.constant 7 : i32
      %shift_right_logical3A_143 = vector.broadcast %shift_right_logical3A_142 : i32 to vector<16xi32>
      %shift_right_logical3A_144 = arith.shrui %select_n3A_141, %shift_right_logical3A_143 : vector<16xi32>
      %and3A_145 = arith.constant 127 : i32
      %and3A_146 = vector.broadcast %and3A_145 : i32 to vector<16xi32>
      %and3A_147 = arith.andi %select_n3A_141, %and3A_146 : vector<16xi32>
      tpu.vector_store_idx %arg9[%shift_right_logical3A_144, %and3A_147], %gather3A masked %lt3A_138 : memref<128x128xi32, #tpu.memory_space<vmem>>[vector<16xi32>, vector<16xi32>], vector<16xi32>, vector<16xi1>
      tpu.vector_store_idx %arg10[%shift_right_logical3A_144, %and3A_147], %gather3A_62 masked %lt3A_138 : memref<128x128xi32, #tpu.memory_space<vmem>>[vector<16xi32>, vector<16xi32>], vector<16xi32>, vector<16xi1>
      %add3A_148 = arith.constant 96 : i32
      %add3A_149 = arith.addi %reduce_max3A_30, %add3A_148 : i32
      %add3A_150 = vector.broadcast %add3A_149 : i32 to vector<16xi32>
      %add3A_151 = arith.addi %add3A_150, %iota3A : vector<16xi32>
      %lt3A_152 = vector.broadcast %mul3A_60 : i32 to vector<16xi32>
      %lt3A_153 = arith.cmpi slt, %add3A_151, %lt3A_152 : vector<16xi32>
      %jit3A_154 = arith.constant 0 : i32
      %broadcast_in_dim3A_155 = vector.broadcast %jit3A_154 : i32 to vector<16xi32>
      %select_n3A_156 = arith.select %lt3A_153, %add3A_151, %broadcast_in_dim3A_155 : vector<16xi1>, vector<16xi32>
      %shift_right_logical3A_157 = arith.constant 7 : i32
      %shift_right_logical3A_158 = vector.broadcast %shift_right_logical3A_157 : i32 to vector<16xi32>
      %shift_right_logical3A_159 = arith.shrui %select_n3A_156, %shift_right_logical3A_158 : vector<16xi32>
      %and3A_160 = arith.constant 127 : i32
      %and3A_161 = vector.broadcast %and3A_160 : i32 to vector<16xi32>
      %and3A_162 = arith.andi %select_n3A_156, %and3A_161 : vector<16xi32>
      tpu.vector_store_idx %arg9[%shift_right_logical3A_159, %and3A_162], %gather3A masked %lt3A_153 : memref<128x128xi32, #tpu.memory_space<vmem>>[vector<16xi32>, vector<16xi32>], vector<16xi32>, vector<16xi1>
      tpu.vector_store_idx %arg10[%shift_right_logical3A_159, %and3A_162], %gather3A_62 masked %lt3A_153 : memref<128x128xi32, #tpu.memory_space<vmem>>[vector<16xi32>, vector<16xi32>], vector<16xi32>, vector<16xi1>
      %add3A_163 = arith.constant 112 : i32
      %add3A_164 = arith.addi %reduce_max3A_30, %add3A_163 : i32
      %add3A_165 = vector.broadcast %add3A_164 : i32 to vector<16xi32>
      %add3A_166 = arith.addi %add3A_165, %iota3A : vector<16xi32>
      %lt3A_167 = vector.broadcast %mul3A_60 : i32 to vector<16xi32>
      %lt3A_168 = arith.cmpi slt, %add3A_166, %lt3A_167 : vector<16xi32>
      %jit3A_169 = arith.constant 0 : i32
      %broadcast_in_dim3A_170 = vector.broadcast %jit3A_169 : i32 to vector<16xi32>
      %select_n3A_171 = arith.select %lt3A_168, %add3A_166, %broadcast_in_dim3A_170 : vector<16xi1>, vector<16xi32>
      %shift_right_logical3A_172 = arith.constant 7 : i32
      %shift_right_logical3A_173 = vector.broadcast %shift_right_logical3A_172 : i32 to vector<16xi32>
      %shift_right_logical3A_174 = arith.shrui %select_n3A_171, %shift_right_logical3A_173 : vector<16xi32>
      %and3A_175 = arith.constant 127 : i32
      %and3A_176 = vector.broadcast %and3A_175 : i32 to vector<16xi32>
      %and3A_177 = arith.andi %select_n3A_171, %and3A_176 : vector<16xi32>
      tpu.vector_store_idx %arg9[%shift_right_logical3A_174, %and3A_177], %gather3A masked %lt3A_168 : memref<128x128xi32, #tpu.memory_space<vmem>>[vector<16xi32>, vector<16xi32>], vector<16xi32>, vector<16xi1>
      tpu.vector_store_idx %arg10[%shift_right_logical3A_174, %and3A_177], %gather3A_62 masked %lt3A_168 : memref<128x128xi32, #tpu.memory_space<vmem>>[vector<16xi32>, vector<16xi32>], vector<16xi32>, vector<16xi1>
    } else {
    }
    %while3A_49 = arith.constant 0 : i32
    %while3A_50 = arith.constant 0 : i32
    %while3A_51 = arith.subi %shift_right_arithmetic3A_46, %while3A_50 : i32
    %while3A_52 = arith.addi %while3A_50, %while3A_51 : i32
    %while3A_53 = arith.constant 1 : i32
    %while3A_54 = arith.divsi %while3A_51, %while3A_53 : i32
    %while3A_55 = arith.muli %while3A_54, %while3A_53 : i32
    %while3A_56 = arith.addi %while3A_50, %while3A_55 : i32
    %while3A_57 = arith.constant 1 : i32
    scf.for %while3A_59 = %while3A_50 to %while3A_56 step %while3A_57  : i32 {
      %dma_start3A_60 = arith.constant 0 : i32
      %dma_start3A_61 = tpu.memref_slice %arg10[%while3A_59, %dma_start3A_60] : memref<128x128xi32, #tpu.memory_space<vmem>> -> memref<1x128xi32, #tpu.memory_space<vmem>>
      %dma_start3A_62 = tpu.memref_squeeze %dma_start3A_61 : memref<1x128xi32, #tpu.memory_space<vmem>> -> memref<128xi32, #tpu.memory_space<vmem>>
      %dma_start3A_63 = arith.constant 0 : i32
      %dma_start3A_64 = arith.constant 0 : i32
      %dma_start3A_65 = tpu.memref_slice %arg3[%dma_start3A_63, %dma_start3A_64] : memref<16384x64xf32, #tpu.memory_space<hbm>> -> memref<16384x64xf32, #tpu.memory_space<hbm>>
      tpu.enqueue_indirect_dma source(%dma_start3A_65 : memref<16384x64xf32, #tpu.memory_space<hbm>>) target(%arg11 : memref<128x64xf32, #tpu.memory_space<vmem>>) offsets(%dma_start3A_62 : memref<128xi32, #tpu.memory_space<vmem>>) semaphore(%arg19 : memref<!tpu.dma_semaphore, #tpu.memory_space<semaphore_mem>>)
      %dma_wait3A = arith.constant 0 : i32
      %dma_wait3A_66 = tpu.memref_slice %arg10[%while3A_59, %dma_wait3A] : memref<128x128xi32, #tpu.memory_space<vmem>> -> memref<1x128xi32, #tpu.memory_space<vmem>>
      %dma_wait3A_67 = tpu.memref_squeeze %dma_wait3A_66 : memref<1x128xi32, #tpu.memory_space<vmem>> -> memref<128xi32, #tpu.memory_space<vmem>>
      %dma_wait3A_68 = arith.constant 0 : i32
      %dma_wait3A_69 = arith.constant 0 : i32
      %dma_wait3A_70 = tpu.memref_slice %arg3[%dma_wait3A_68, %dma_wait3A_69] : memref<16384x64xf32, #tpu.memory_space<hbm>> -> memref<16384x64xf32, #tpu.memory_space<hbm>>
      tpu.wait_indirect_dma semaphore(%arg19 : memref<!tpu.dma_semaphore, #tpu.memory_space<semaphore_mem>>) src(%dma_wait3A_70 : memref<16384x64xf32, #tpu.memory_space<hbm>>) dst(%arg11 : memref<128x64xf32, #tpu.memory_space<vmem>>)
      %dma_start3A_71 = arith.constant 0 : i32
      %dma_start3A_72 = tpu.memref_slice %arg9[%while3A_59, %dma_start3A_71] : memref<128x128xi32, #tpu.memory_space<vmem>> -> memref<1x128xi32, #tpu.memory_space<vmem>>
      %dma_start3A_73 = tpu.memref_squeeze %dma_start3A_72 : memref<1x128xi32, #tpu.memory_space<vmem>> -> memref<128xi32, #tpu.memory_space<vmem>>
      %dma_start3A_74 = arith.constant 0 : i32
      %dma_start3A_75 = arith.constant 0 : i32
      %dma_start3A_76 = tpu.memref_slice %arg5[%dma_start3A_74, %dma_start3A_75] : memref<1000000x64xf32, #tpu.memory_space<hbm>> -> memref<1000000x64xf32, #tpu.memory_space<hbm>>
      tpu.enqueue_indirect_dma source(%arg11 : memref<128x64xf32, #tpu.memory_space<vmem>>) target(%dma_start3A_76 : memref<1000000x64xf32, #tpu.memory_space<hbm>>) offsets(%dma_start3A_73 : memref<128xi32, #tpu.memory_space<vmem>>) semaphore(%arg19 : memref<!tpu.dma_semaphore, #tpu.memory_space<semaphore_mem>>)
      %dma_wait3A_77 = arith.constant 0 : i32
      %dma_wait3A_78 = tpu.memref_slice %arg9[%while3A_59, %dma_wait3A_77] : memref<128x128xi32, #tpu.memory_space<vmem>> -> memref<1x128xi32, #tpu.memory_space<vmem>>
      %dma_wait3A_79 = tpu.memref_squeeze %dma_wait3A_78 : memref<1x128xi32, #tpu.memory_space<vmem>> -> memref<128xi32, #tpu.memory_space<vmem>>
      %dma_wait3A_80 = arith.constant 0 : i32
      %dma_wait3A_81 = arith.constant 0 : i32
      %dma_wait3A_82 = tpu.memref_slice %arg5[%dma_wait3A_80, %dma_wait3A_81] : memref<1000000x64xf32, #tpu.memory_space<hbm>> -> memref<1000000x64xf32, #tpu.memory_space<hbm>>
      tpu.wait_indirect_dma semaphore(%arg19 : memref<!tpu.dma_semaphore, #tpu.memory_space<semaphore_mem>>) src(%arg11 : memref<128x64xf32, #tpu.memory_space<vmem>>) dst(%dma_wait3A_82 : memref<1000000x64xf32, #tpu.memory_space<hbm>>)
    }
    %while3A_58 = arith.constant 1 : i32
    scf.for %while3A_59 = %while3A_56 to %while3A_52 step %while3A_58  : i32 {
      %dma_start3A_60 = arith.constant 0 : i32
      %dma_start3A_61 = tpu.memref_slice %arg10[%while3A_59, %dma_start3A_60] : memref<128x128xi32, #tpu.memory_space<vmem>> -> memref<1x128xi32, #tpu.memory_space<vmem>>
      %dma_start3A_62 = tpu.memref_squeeze %dma_start3A_61 : memref<1x128xi32, #tpu.memory_space<vmem>> -> memref<128xi32, #tpu.memory_space<vmem>>
      %dma_start3A_63 = arith.constant 0 : i32
      %dma_start3A_64 = arith.constant 0 : i32
      %dma_start3A_65 = tpu.memref_slice %arg3[%dma_start3A_63, %dma_start3A_64] : memref<16384x64xf32, #tpu.memory_space<hbm>> -> memref<16384x64xf32, #tpu.memory_space<hbm>>
      tpu.enqueue_indirect_dma source(%dma_start3A_65 : memref<16384x64xf32, #tpu.memory_space<hbm>>) target(%arg11 : memref<128x64xf32, #tpu.memory_space<vmem>>) offsets(%dma_start3A_62 : memref<128xi32, #tpu.memory_space<vmem>>) semaphore(%arg19 : memref<!tpu.dma_semaphore, #tpu.memory_space<semaphore_mem>>)
      %dma_wait3A = arith.constant 0 : i32
      %dma_wait3A_66 = tpu.memref_slice %arg10[%while3A_59, %dma_wait3A] : memref<128x128xi32, #tpu.memory_space<vmem>> -> memref<1x128xi32, #tpu.memory_space<vmem>>
      %dma_wait3A_67 = tpu.memref_squeeze %dma_wait3A_66 : memref<1x128xi32, #tpu.memory_space<vmem>> -> memref<128xi32, #tpu.memory_space<vmem>>
      %dma_wait3A_68 = arith.constant 0 : i32
      %dma_wait3A_69 = arith.constant 0 : i32
      %dma_wait3A_70 = tpu.memref_slice %arg3[%dma_wait3A_68, %dma_wait3A_69] : memref<16384x64xf32, #tpu.memory_space<hbm>> -> memref<16384x64xf32, #tpu.memory_space<hbm>>
      tpu.wait_indirect_dma semaphore(%arg19 : memref<!tpu.dma_semaphore, #tpu.memory_space<semaphore_mem>>) src(%dma_wait3A_70 : memref<16384x64xf32, #tpu.memory_space<hbm>>) dst(%arg11 : memref<128x64xf32, #tpu.memory_space<vmem>>)
      %dma_start3A_71 = arith.constant 0 : i32
      %dma_start3A_72 = tpu.memref_slice %arg9[%while3A_59, %dma_start3A_71] : memref<128x128xi32, #tpu.memory_space<vmem>> -> memref<1x128xi32, #tpu.memory_space<vmem>>
      %dma_start3A_73 = tpu.memref_squeeze %dma_start3A_72 : memref<1x128xi32, #tpu.memory_space<vmem>> -> memref<128xi32, #tpu.memory_space<vmem>>
      %dma_start3A_74 = arith.constant 0 : i32
      %dma_start3A_75 = arith.constant 0 : i32
      %dma_start3A_76 = tpu.memref_slice %arg5[%dma_start3A_74, %dma_start3A_75] : memref<1000000x64xf32, #tpu.memory_space<hbm>> -> memref<1000000x64xf32, #tpu.memory_space<hbm>>
      tpu.enqueue_indirect_dma source(%arg11 : memref<128x64xf32, #tpu.memory_space<vmem>>) target(%dma_start3A_76 : memref<1000000x64xf32, #tpu.memory_space<hbm>>) offsets(%dma_start3A_73 : memref<128xi32, #tpu.memory_space<vmem>>) semaphore(%arg19 : memref<!tpu.dma_semaphore, #tpu.memory_space<semaphore_mem>>)
      %dma_wait3A_77 = arith.constant 0 : i32
      %dma_wait3A_78 = tpu.memref_slice %arg9[%while3A_59, %dma_wait3A_77] : memref<128x128xi32, #tpu.memory_space<vmem>> -> memref<1x128xi32, #tpu.memory_space<vmem>>
      %dma_wait3A_79 = tpu.memref_squeeze %dma_wait3A_78 : memref<1x128xi32, #tpu.memory_space<vmem>> -> memref<128xi32, #tpu.memory_space<vmem>>
      %dma_wait3A_80 = arith.constant 0 : i32
      %dma_wait3A_81 = arith.constant 0 : i32
      %dma_wait3A_82 = tpu.memref_slice %arg5[%dma_wait3A_80, %dma_wait3A_81] : memref<1000000x64xf32, #tpu.memory_space<hbm>> -> memref<1000000x64xf32, #tpu.memory_space<hbm>>
      tpu.wait_indirect_dma semaphore(%arg19 : memref<!tpu.dma_semaphore, #tpu.memory_space<semaphore_mem>>) src(%arg11 : memref<128x64xf32, #tpu.memory_space<vmem>>) dst(%dma_wait3A_82 : memref<1000000x64xf32, #tpu.memory_space<hbm>>)
    }
    return
  }
}

module attributes {stable_mosaic.version = 14 : i64} {
  func.func @_compute_body(%arg0: i32, %arg1: memref<1024x64xf32, #tpu.memory_space<vmem>>, %arg2: memref<1024x128xf32, #tpu.memory_space<vmem>>, %arg3: memref<128x64xf32, #tpu.memory_space<vmem>>, %arg4: memref<1x64xf32, #tpu.memory_space<vmem>>, %arg5: memref<64x64xf32, #tpu.memory_space<vmem>>, %arg6: memref<1x64xf32, #tpu.memory_space<vmem>>, %arg7: memref<1024x64xf32, #tpu.memory_space<vmem>>) attributes {dimension_semantics = [#tpu.dimension_semantics<arbitrary>], iteration_bounds = array<i64: 16>, scalar_prefetch = 0 : i64, scratch_operands = 0 : i64, tpu.core_type = #tpu.core_type<tc>, window_params = [{transform_indices = @transform_0, window_bounds = array<i64: 1024, 64>}, {transform_indices = @transform_1, window_bounds = array<i64: 1024, 128>}, {pipeline_mode = #tpu.pipeline_mode<synchronous>, transform_indices = @transform_2, window_bounds = array<i64: 128, 64>}, {pipeline_mode = #tpu.pipeline_mode<synchronous>, transform_indices = @transform_3, window_bounds = array<i64: 1, 64>}, {pipeline_mode = #tpu.pipeline_mode<synchronous>, transform_indices = @transform_4, window_bounds = array<i64: 64, 64>}, {pipeline_mode = #tpu.pipeline_mode<synchronous>, transform_indices = @transform_5, window_bounds = array<i64: 1, 64>}, {transform_indices = @transform_6, window_bounds = array<i64: 1024, 64>}]} {
    %get3A = arith.constant 0 : index
    %get3A_0 = arith.constant 0 : index
    %get3A_1 = vector.load %arg1[%get3A, %get3A_0] : memref<1024x64xf32, #tpu.memory_space<vmem>>, vector<1024x64xf32>
    %get3A_2 = arith.constant 0 : index
    %get3A_3 = arith.constant 0 : index
    %get3A_4 = vector.load %arg2[%get3A_2, %get3A_3] : memref<1024x128xf32, #tpu.memory_space<vmem>>, vector<1024x128xf32>
    %get3A_5 = arith.constant 0 : index
    %get3A_6 = arith.constant 0 : index
    %get3A_7 = vector.load %arg3[%get3A_5, %get3A_6] : memref<128x64xf32, #tpu.memory_space<vmem>>, vector<128x64xf32>
    %dot_general3A = arith.constant dense<0.000000e+00> : vector<1024x64xf32>
    %dot_general3A_8 = tpu.matmul %get3A_4, %get3A_7, %dot_general3A {dimension_numbers = #tpu.dot_dimension_numbers<[1], [0], [0], [1], [0, 0, 1, 1], [], []>, transpose_lhs_hint = false} : vector<1024x128xf32>, vector<128x64xf32>, vector<1024x64xf32> -> vector<1024x64xf32>
    %get3A_9 = arith.constant 0 : index
    %get3A_10 = arith.constant 0 : index
    %get3A_11 = vector.load %arg4[%get3A_9, %get3A_10] : memref<1x64xf32, #tpu.memory_space<vmem>>, vector<1x64xf32>
    %add3A = vector.broadcast %get3A_11 : vector<1x64xf32> to vector<1024x64xf32>
    %add3A_12 = arith.addf %dot_general3A_8, %add3A : vector<1024x64xf32>
    %logistic3A = arith.negf %add3A_12 : vector<1024x64xf32>
    %logistic3A_13 = math.exp %logistic3A : vector<1024x64xf32>
    %logistic3A_14 = arith.constant 1.000000e+00 : f32
    %logistic3A_15 = vector.broadcast %logistic3A_14 : f32 to vector<1024x64xf32>
    %logistic3A_16 = arith.addf %logistic3A_15, %logistic3A_13 : vector<1024x64xf32>
    %logistic3A_17 = arith.divf %logistic3A_15, %logistic3A_16 : vector<1024x64xf32>
    %get3A_18 = arith.constant 0 : index
    %get3A_19 = arith.constant 0 : index
    %get3A_20 = vector.load %arg5[%get3A_18, %get3A_19] : memref<64x64xf32, #tpu.memory_space<vmem>>, vector<64x64xf32>
    %dot_general3A_21 = arith.constant dense<0.000000e+00> : vector<1024x64xf32>
    %dot_general3A_22 = tpu.matmul %get3A_1, %get3A_20, %dot_general3A_21 {dimension_numbers = #tpu.dot_dimension_numbers<[1], [0], [0], [1], [0, 0, 1, 1], [], []>, transpose_lhs_hint = false} : vector<1024x64xf32>, vector<64x64xf32>, vector<1024x64xf32> -> vector<1024x64xf32>
    %get3A_23 = arith.constant 0 : index
    %get3A_24 = arith.constant 0 : index
    %get3A_25 = vector.load %arg6[%get3A_23, %get3A_24] : memref<1x64xf32, #tpu.memory_space<vmem>>, vector<1x64xf32>
    %add3A_26 = vector.broadcast %get3A_25 : vector<1x64xf32> to vector<1024x64xf32>
    %add3A_27 = arith.addf %dot_general3A_22, %add3A_26 : vector<1024x64xf32>
    %mul3A = arith.mulf %add3A_27, %logistic3A_17 : vector<1024x64xf32>
    %logistic3A_28 = arith.negf %mul3A : vector<1024x64xf32>
    %logistic3A_29 = math.exp %logistic3A_28 : vector<1024x64xf32>
    %logistic3A_30 = arith.constant 1.000000e+00 : f32
    %logistic3A_31 = vector.broadcast %logistic3A_30 : f32 to vector<1024x64xf32>
    %logistic3A_32 = arith.addf %logistic3A_31, %logistic3A_29 : vector<1024x64xf32>
    %logistic3A_33 = arith.divf %logistic3A_31, %logistic3A_32 : vector<1024x64xf32>
    %mul3A_34 = arith.mulf %logistic3A_33, %get3A_1 : vector<1024x64xf32>
    %sub3A = arith.constant 1.000000e+00 : f32
    %sub3A_35 = vector.broadcast %sub3A : f32 to vector<1024x64xf32>
    %sub3A_36 = arith.subf %sub3A_35, %logistic3A_33 : vector<1024x64xf32>
    %mul3A_37 = arith.mulf %sub3A_36, %logistic3A_17 : vector<1024x64xf32>
    %add3A_38 = arith.addf %mul3A_34, %mul3A_37 : vector<1024x64xf32>
    %mul3A_39 = arith.mulf %add3A_38, %add3A_38 : vector<1024x64xf32>
    %reduce_sum3A = arith.constant dense<0.000000e+00> : vector<1024xf32>
    %reduce_sum3A_40 = vector.multi_reduction <add>, %mul3A_39, %reduce_sum3A [1] : vector<1024x64xf32> to vector<1024xf32>
    %broadcast_in_dim3A = vector.shape_cast %reduce_sum3A_40 : vector<1024xf32> to vector<1024x1xf32>
    %sqrt3A = math.sqrt %broadcast_in_dim3A : vector<1024x1xf32>
    %max3A = arith.constant 9.99999996E-13 : f32
    %max3A_41 = vector.broadcast %max3A : f32 to vector<1024x1xf32>
    %max3A_42 = arith.maximumf %sqrt3A, %max3A_41 : vector<1024x1xf32>
    %div3A = vector.broadcast %max3A_42 : vector<1024x1xf32> to vector<1024x64xf32>
    %div3A_43 = arith.divf %add3A_38, %div3A : vector<1024x64xf32>
    %swap3A = arith.constant 0 : index
    %swap3A_44 = arith.constant 0 : index
    %swap3A_45 = vector.load %arg7[%swap3A, %swap3A_44] : memref<1024x64xf32, #tpu.memory_space<vmem>>, vector<1024x64xf32>
    tpu.vector_store %arg7[%swap3A, %swap3A_44], %div3A_43 {strides = array<i32>} : memref<1024x64xf32, #tpu.memory_space<vmem>>, vector<1024x64xf32>,
    return
  }
  func.func @transform_0(%arg0: i32) -> (i32, i32) {
    %c0_i32 = arith.constant 0 : i32
    %c0_i32_0 = arith.constant 0 : i32
    return %arg0, %c0_i32 : i32, i32
  }
  func.func @transform_1(%arg0: i32) -> (i32, i32) {
    %c0_i32 = arith.constant 0 : i32
    %c0_i32_0 = arith.constant 0 : i32
    return %arg0, %c0_i32 : i32, i32
  }
  func.func @transform_2(%arg0: i32) -> (i32, i32) {
    %c0_i32 = arith.constant 0 : i32
    %c0_i32_0 = arith.constant 0 : i32
    %c0_i32_1 = arith.constant 0 : i32
    return %c0_i32, %c0_i32_0 : i32, i32
  }
  func.func @transform_3(%arg0: i32) -> (i32, i32) {
    %c0_i32 = arith.constant 0 : i32
    %c0_i32_0 = arith.constant 0 : i32
    %c0_i32_1 = arith.constant 0 : i32
    return %c0_i32, %c0_i32_0 : i32, i32
  }
  func.func @transform_4(%arg0: i32) -> (i32, i32) {
    %c0_i32 = arith.constant 0 : i32
    %c0_i32_0 = arith.constant 0 : i32
    %c0_i32_1 = arith.constant 0 : i32
    return %c0_i32, %c0_i32_0 : i32, i32
  }
  func.func @transform_5(%arg0: i32) -> (i32, i32) {
    %c0_i32 = arith.constant 0 : i32
    %c0_i32_0 = arith.constant 0 : i32
    %c0_i32_1 = arith.constant 0 : i32
    return %c0_i32, %c0_i32_0 : i32, i32
  }
  func.func @transform_6(%arg0: i32) -> (i32, i32) {
    %c0_i32 = arith.constant 0 : i32
    %c0_i32_0 = arith.constant 0 : i32
    return %arg0, %c0_i32 : i32, i32
  }
}

</mosaic_0001>

<sc_bundles>
// kernel: kernel.5.cloned.1.call-start
scs
__scs_entry_jumppad:
0x0: {  	(pc) =	sbr.rel $0x88, $3  }
0x1: {  	(tag) =	ssettag $0x0;
	lr =	simm.s32 $0x1  }
0x2: {  	[smem:$0x3F9A] =	sst lr;
	_ =	strace $0xD0000000  }
0x3: {  	_ = 	snop  }
0x4: {  	_ = 	snop  }
0x5: {  	_ = 	snop  }
0x6: {  	_ = 	snop  }
0x7: {  	_ = 	snop  }
__scs_overlays_trampoline_lowered:
0x8: {  	[smem:$0x3FA9] =	sst s0  }
0x9: {  	[smem:$0x3FAA] =	sst s1  }
0xa: {  	[smem:$0x3FAB] =	sst s2  }
0xb: {  	[smem:$0x3FAC] =	sst s3  }
0xc: {  	[smem:$0x3FAD] =	sst s4  }
0xd: {  	[smem:$0x3FAE] =	sst s5  }
0xe: {  	[smem:$0x3FAF] =	sst s6  }
0xf: {  	[smem:$0x3FB0] =	sst s7  }
0x10: {  	[smem:$0x3FB1] =	sst s8  }
0x11: {  	[smem:$0x3FB2] =	sst s9;
	s0 =	simm.s32 @!p0 $0x0  }
0x12: {  	s1 =	sld [smem:$0x3F98];
	s0 =	simm.s32 @p0 $0x1  }
0x13: {  	[smem:$0x3FB3] =	sst s0;
	s0 =	simm.s32 @!p1 $0x0  }
0x14: {  	s2 =	sld [smem:$0x3F97];
	s0 =	simm.s32 @p1 $0x1  }
0x15: {  	[smem:$0x3FB4] =	sst s0;
	s0 =	simm.s32 @!p2 $0x0  }
0x16: {  	s3 =	sld [smem:$0x3FDB];
	s0 =	simm.s32 @p2 $0x1  }
0x17: {  	s4 =	simm.s32 $0x1BF5;
	[smem:$0x3FB6] =	sst s0  }
0x18: {  	s0 =	sld [smem:$0x3F99];
	_ =	swait.ge [sflag:s4], $0x0  }
0x19: {  	s7 =	sld [smem:$0x3F9A]  }
0x1a: {  	s8 =	sadd.s32 $0xFFFFE003, lr  }
0x1b: {  	s9 =	sadd.s32 $0xFFFFFEF7, lr;
	s5 =	simm.s32 $0xFFFFFFFF;
	p2 =	slt.u32 s8, $0xFFFFF086  }
0x1c: {  	p1 =	slt.u32 s9, $0xF7A;
	s5 =	simm.s32 @!p2 $0x0  }
0x1d: {  	s5 =	simm.s32 @p1 $0x1;
	p0 =	seq.s32 s7, s2  }
0x1e: {  	s7 =	smul.u32 @!p0 $0xF7A, s2;
	p2 =	seq.s32 @!p0 s5, $0x0  }
0x1f: {  	s9 =	smul.u32 $0xF7A, s1;
	s8 =	simm.s32 @!p0 $0x1BF5;
	p2 =	por !p2, p0  }
0x20: {  	[sflag:s8] =	ssyncset.s32 @!p0 $0xFFFFF086;
	s6 =	sadd.s32 @!p0 s3, s7;
	s7 =	simm.s32 @!p0 $0x108  }
0x21: {  	s3 =	sadd.s32 s3, s9;
	s6 =	sadd.s32 @!p0 $0x88, s6;
	s7 =	simm.s32 @p2 $0x1082  }
0x22: {  	[simem:s7], [sflag:s8] =	dma.local @!p0 [hbm:s6], $0xF7A  }
0x23: {  	s9 =	sor.u32 $0xD0000000, s2;
	s6 =	simm.s32 $0x108;
	_ =	swait.ge @!p0 [sflag:s8], $0x0  }
0x24: {  	s3 =	sadd.s32 $0x88, s3;
	s6 =	simm.s32 @!p1 $0x1082;
	[sflag:s4] =	ssyncset.s32 $0xFFFFF086  }
0x25: {  	[simem:s6], [sflag:s4] =	dma.local [hbm:s3], $0xF7A  }
0x26: {  	[smem:$0x3F9A] =	sst s1;
	(tag) =	ssettag s2;
	_ =	strace s9  }
0x27: {  	s1 =	sld [smem:$0x3FAA]  }
0x28: {  	s2 =	sld [smem:$0x3FAB]  }
0x29: {  	s4 =	sld [smem:$0x3FAD]  }
0x2a: {  	p0 =	seq.s32 s5, $0x0;
	s5 =	sld [smem:$0x3FAE]  }
0x2b: {  	s6 =	sld [smem:$0x3FAF]  }
0x2c: {  	s7 =	sld [smem:$0x3FB0]  }
0x2d: {  	s3 =	simm.s32 $0x108;
	s8 =	sld [smem:$0x3FB1]  }
0x2e: {  	s3 =	simm.s32 @!p0 $0x1082;
	s9 =	sld [smem:$0x3FB2]  }
0x2f: {  	lr =	sadd.s32 s0, s3;
	s0 =	sld [smem:$0x3FA9]  }
0x30: {  	s3 =	sld [smem:$0x3FAC]  }
0x31: {  	[smem:$0x3FB5] =	sst s10  }
0x32: {  	s10 =	sld [smem:$0x3FB3];
	_ =	sdelay $0x3  }
0x33: {  	p0 =	seq.s32 s10, $0x1;
	s10 =	sld [smem:$0x3FB5];
	_ =	sdelay $0x3  }
0x34: {  	[smem:$0x3FB5] =	sst s10  }
0x35: {  	s10 =	sld [smem:$0x3FB4];
	_ =	sdelay $0x3  }
0x36: {  	p1 =	seq.s32 s10, $0x1;
	s10 =	sld [smem:$0x3FB5];
	_ =	sdelay $0x3  }
0x37: {  	[smem:$0x3FB5] =	sst s10  }
0x38: {  	s10 =	sld [smem:$0x3FB6]  }
0x39: {  	_ = 	snop;
	(pc) =	sbr.ind lr, $3  }
0x3a: {  	_ = 	snop  }
0x3b: {  	_ = 	snop  }
0x3c: {  	p2 =	seq.s32 s10, $0x1;
	s10 =	sld [smem:$0x3FB5]  }
0x3d: {  	_ =	shalt  }
0x3e: {  	_ =	shalt  }
0x3f: {  	_ =	shalt  }
0x40: {  	_ =	shalt  }
0x41: {  	_ =	shalt  }
0x42: {  	_ =	shalt  }
0x43: {  	_ =	shalt  }
0x44: {  	_ =	shalt  }
0x45: {  	_ =	shalt  }
0x46: {  	_ =	shalt  }
0x47: {  	_ =	shalt  }
0x48: {  	_ =	shalt  }
0x49: {  	_ =	shalt  }
0x4a: {  	_ =	shalt  }
0x4b: {  	_ =	shalt  }
0x4c: {  	_ =	shalt  }
0x4d: {  	_ =	shalt  }
0x4e: {  	_ =	shalt  }
0x4f: {  	_ =	shalt  }
0x50: {  	_ =	shalt  }
0x51: {  	_ =	shalt  }
0x52: {  	_ =	shalt  }
0x53: {  	_ =	shalt  }
0x54: {  	_ =	shalt  }
0x55: {  	_ =	shalt  }
0x56: {  	_ =	shalt  }
0x57: {  	_ =	shalt  }
0x58: {  	_ =	shalt  }
0x59: {  	_ =	shalt  }
0x5a: {  	_ =	shalt  }
0x5b: {  	_ =	shalt  }
0x5c: {  	_ =	shalt  }
0x5d: {  	_ =	shalt  }
0x5e: {  	_ =	shalt  }
0x5f: {  	_ =	shalt  }
0x60: {  	_ =	shalt  }
0x61: {  	_ =	shalt  }
0x62: {  	_ =	shalt  }
0x63: {  	_ =	shalt  }
0x64: {  	_ =	shalt  }
0x65: {  	_ =	shalt  }
0x66: {  	_ =	shalt  }
0x67: {  	_ =	shalt  }
0x68: {  	_ =	shalt  }
0x69: {  	_ =	shalt  }
0x6a: {  	_ =	shalt  }
0x6b: {  	_ =	shalt  }
0x6c: {  	_ =	shalt  }
0x6d: {  	_ =	shalt  }
0x6e: {  	_ =	shalt  }
0x6f: {  	_ =	shalt  }
0x70: {  	_ =	shalt  }
0x71: {  	_ =	shalt  }
0x72: {  	_ =	shalt  }
0x73: {  	_ =	shalt  }
0x74: {  	_ =	shalt  }
0x75: {  	_ =	shalt  }
0x76: {  	_ =	shalt  }
0x77: {  	_ =	shalt  }
0x78: {  	_ =	shalt  }
0x79: {  	_ =	shalt  }
0x7a: {  	_ =	shalt  }
0x7b: {  	_ =	shalt  }
0x7c: {  	_ =	shalt  }
0x7d: {  	_ =	shalt  }
0x7e: {  	_ =	shalt  }
0x7f: {  	_ =	shalt  }
0x80: {  	_ =	shalt  }
0x81: {  	_ =	shalt  }
0x82: {  	_ =	shalt  }
0x83: {  	_ =	shalt  }
0x84: {  	_ =	shalt  }
0x85: {  	_ =	shalt  }
0x86: {  	_ =	shalt  }
0x87: {  	_ =	shalt  }
.Lfunc_end0:
.L_simem_size_0:
called_computation.1_lowered:
.L_overlay_start_0:
0x88: {  	s2 =	sld [smem:$0x3FD9]  }
0x89: {  	s3 =	sld [smem:$0x3FFE];
	_ =	sdelay $0x1  }
0x8a: {  	s1 =	srdreg.scid  }
0x8b: {  	s0 =	sand.u32 $0x1, s1  }
0x8c: {  	s15 =	sshll.u32 s0, $0xA;
	s2 =	sadd.s32 s3, s2  }
0x8d: {  	s2 =	sadd.s32 s2, s15  }
0x8e: {  	[smem:$0x3FC1] =	sst s2  }
0x8f: {  	_ = 	snop  }
0x90: {  	s2 =	sld [smem:$0x3FD0];
	_ =	sdelay $0x2  }
0x91: {  	s4 =	simm.s32 $0xA;
	s5 =	simm.s32 $0x10;
	s16 =	sld [smem:$0x3FC9]  }
0x92: {  	[smem:s5], [sflag:s4] =	dma.local [hbm:s2], $0x1  }
0x93: {  	_ =	swait.eq [sflag:s4], $0x1  }
0x94: {  	[sflag:s4] =	ssyncset.done $0x0  }
0x95: {  	s17 =	sld [smem:$0x10];
	[sflag:s4] =	ssyncadd.s32 $0xFFFFFFFF  }
0x96: {  	s18 =	sld [smem:$0x11];
	(tm) =	ssettm $0x1  }
0x97: {  	s19 =	sld [smem:$0x3FFB];
	_ =	sdelay $0x3  }
0x98: {  	_ =	strace s19  }
0x99: {  	s5 =	sld [smem:$0x3FFC];
	_ =	sdelay $0x3  }
0x9a: {  	_ =	strace s5  }
0x9b: {  	s5 =	sld [smem:$0x3FFD];
	_ =	sdelay $0x3  }
0x9c: {  	_ =	strace s5  }
0x9d: {  	_ =	strace $0x8FFFFFFF  }
0x9e: {  	s20 =	sld [smem:$0x3FDB];
	_ =	sdelay $0x1  }
0x9f: {  	s6 =	simm.s32 $_scs_section_size  }
0xa0: {  	s7 =	simm.s32 $_size__tile_overlayer_lowered;
	s8 =	simm.s32 $_tile_overlayer_lowered  }
0xa1: {  	s23 =	simm.s32 $0x1BFF;
	s22 =	sshll.u32 s8, $0x1;
	s5 =	sadd.s32 s6, s20  }
0xa2: {  	s9 =	simm.s32 $0x0;
	s21 =	sshll.u32 s7, $0x1;
	s7 =	sadd.s32 s22, s5  }
0xa3: {  	[timem:s9], [sflag:s23] =	dma.local [hbm:s7], s21  }
0xa4: {  	_ =	swait.ge [sflag:s23], s21  }
0xa5: {  	s6 =	ssub.s32 $0x0, s21;
	[sflag:s23] =	ssyncset.done $0x0  }
0xa6: {  	[sflag:s23] =	ssyncadd.s32 s6;
	_ =	sdelay $0x1  }
0xa7: {  	s24 =	simm.s32 $0x1B8B  }
0xa8: {  	_ =	swait.ge [sflag:s24], $0x1  }
0xa9: {  	[sflag:s24] =	ssyncset.done $0x0  }
0xaa: {  	s25 =	simm.s32 $0x1B8E;
	[sflag:s24] =	ssyncadd.s32 $0xFFFFFFFF  }
0xab: {  	s26 =	simm.s32 $execute0_lowered;
	[smem:$0x3FD2] =	sst s25  }
0xac: {  	s6 =	sshll.u32 s26, $0x1;
	_ =	strace $0x80000046;
	[dreg:$0x1] =	wrdreg $0xFFFFFFFF  }
0xad: {  	s28 =	simm.s32 $_size_execute0_lowered;
	s5 =	sadd.s32 s5, s6;
	[dreg:$0x0] =	wrdreg $0x0  }
0xae: {  	s6 =	sshll.u32 s28, $0x1;
	[dreg:$0x2] =	wrdreg s5  }
0xaf: {  	[dreg:$0x3] =	wrdreg s6  }
0xb0: {  	[dreg:$0x4] =	wrdreg $0xC0  }
0xb1: {  	_ =	task [dreg:s9], $0x5FFFF  }
0xb2: {  	[dreg:$0x1] =	wrdreg $0xFFFFFFFF  }
0xb3: {  	[dreg:$0x0] =	wrdreg $0x60  }
0xb4: {  	[dreg:$0x2] =	wrdreg s18  }
0xb5: {  	[dreg:$0x3] =	wrdreg s16  }
0xb6: {  	[dreg:$0x4] =	wrdreg s17  }
0xb7: {  	[dreg:$0x5] =	wrdreg $0x9  }
0xb8: {  	_ =	task.clear_ibuf [dreg:s9], $0x6FFFF;
	_ =	strace $0x90000046  }
0xb9: {  	s29 =	simm.s32 $0x9;
	_ =	strace $0x80000048  }
0xba: {  	_ =	swait.ge [sflag:s29], $0x1  }
0xbb: {  	[sflag:s29] =	ssyncadd.s32 $0xFFFFFFFF  }
0xbc: {  	_ =	strace $0x90000048  }
0xbd: {  	_ =	sfence  }
0xbe: {  	s30 =	sld [smem:$0x0];
	_ =	sdelay $0x2  }
0xbf: {  	s31 =	sshll.u32 s1, $0xD;
	s1 =	sshrl.u32 s1, $0x2  }
0xc0: {  	s3 =	sand.u32 $0x4000, s31;
	s1 =	sadd.s32 s1, s30  }
0xc1: {  	s0 =	sor.u32 s3, s0;
	s1 =	sshll.u32 s1, $0x11  }
0xc2: {  	s0 =	sor.u32 s1, s0  }
0xc3: {  	s0 =	sadd.s32 $0x8F2B, s0  }
0xc4: {  	[sflag:s0] =	ssyncadd.remote.s32 $0x1  }
0xc5: {  	_ =	sfence.sel $0xFFFF  }
0xc6: {  	[dreg:$0x0] =	wrdreg $0xFFFFFFFF;
	(pc) =	sbr.abs _section_cstart, $3  }
0xc7: {  	[dreg:$0x1] =	wrdreg $0xFFFFFFFF  }
0xc8: {  	_ =	task.clear_ibuf [dreg:s9], $0x2FFFF;
	_ =	strace $0x9FFFFFFF  }
0xc9: {  	(tm) =	ssettm $0x7FFFFFFF  }
tec
execute0_lowered:
.L_overlay_start_1:
0x0: {  	(tag) =	ssettag $0x1  }
0x1: {  	s1 =	rddreg [dreg:$0x0]  }
0x2: {  	s2 =	srdreg.scid;
	s4 =	rddreg [dreg:$0x1]  }
0x3: {  	s0 =	stileid.u32;
	s8 =	rddreg [dreg:$0x2];
	s6 =	sand.u32 $0x1, s2  }
0x4: {  	s3 =	simm.s32 $0x0;
	s5 =	sshll.u32 s0, $0xA;
	s7 =	sshll.u32 s6, $0x9  }
0x5: {  	[smem:$0x7FF] =	sst s3;
	s9 =	sor.u32 s7, s5  }
0x6: {  	s2 =	rddreg [dreg:$0x3];
	_ =	strace $0x80000047;
	s5 =	sshrl.u32 s9, $0x3  }
0x7: {  	s10 =	ssub.s32 $0x2, s6;
	s5 =	sadd.s32 s4, s5;
	s4 =	simm.s32 $0x2  }
0x8: {  	[tilespmem:s3], [sflag:$0x2] =	stream.linear.gather [hbm4b:s5+s3], $0x200, $0x38;
	[tilespmem:$0x8200] =	vst v63  }
0x9: {  	s11 =	sshrl.u32 s10, $0x1;
	_ =	swait.ge [sflag:s4], $0x200  }
0xa: {  	s6 =	simm.s32 $0x200;
	s10 =	ssub.s32 s10, s11;
	[sflag:s4] =	ssyncset.done $0x0  }
0xb: {  	s7 =	simm.s32 $0x1;
	s31 =	smax.u32 s10, $0x1;
	[sflag:s4] =	ssyncadd.s32 $0xFFFFFE00  }
0xc: {  	[tilespmem:s6], [sflag:$0x1] =	stream.indirect.gather [hbm4b:s1+s6], $0x40, s3, s6, $0xb8;
	[tilespmem:$0x8200] =	vst v63  }
0xd: {  	p0 =	sne.s32 s31, $0x1;
	_ =	swait.ge [sflag:s7], $0x8000  }
.Ltmp0:
0xe: {  	s9 =	sshll.u32 s9, $0x3;
	[sflag:s7] =	ssyncset.done $0x0;
	(pc) =	sbr.rel @!p0 .LBB2_2-.Ltmp0, $4  }
0xf: {  	s8 =	sadd.s32 s8, s9;
	[sflag:s7] =	ssyncadd.s32 $0xFFFF8000  }
0x10: {  	[hbm4b:s8+s3] =	stream.linear.scatter [tilespmem:s6], [sflag:$0x2], $0x8000, $0x38;
	[tilespmem:$0x8200] =	vst v63  }
0x11: {  	_ =	swait.ge [sflag:s4], $0x8000  }
0x12: {  	s9 =	sadd.s32 $0xFFFFFFFF, s31;
	[sflag:s4] =	ssyncset.done $0x0  }
.LBB2_1:
0x13: {  	p0 =	sne.s32 s9, $0x1;
	s9 =	sadd.s32 $0xFFFFFFFF, s9;
	[sflag:s4] =	ssyncadd.s32 $0xFFFF8000  }
0x14: {  	[tilespmem:s3], [sflag:$0x2] =	stream.linear.gather [hbm4b:s5+s3], $0x200, $0x38;
	[tilespmem:$0x8200] =	vst v63  }
0x15: {  	_ =	swait.ge [sflag:s4], $0x200  }
0x16: {  	[sflag:s4] =	ssyncset.done $0x0  }
0x17: {  	[sflag:s4] =	ssyncadd.s32 $0xFFFFFE00  }
0x18: {  	[tilespmem:s6], [sflag:$0x1] =	stream.indirect.gather [hbm4b:s1+s6], $0x40, s3, s6, $0xb8;
	[tilespmem:$0x8200] =	vst v63  }
0x19: {  	_ =	swait.ge [sflag:s7], $0x8000  }
.Ltmp1:
0x1a: {  	[sflag:s7] =	ssyncset.done $0x0;
	(pc) =	sbr.rel @p0 .LBB2_1-.Ltmp1, $4  }
0x1b: {  	[sflag:s7] =	ssyncadd.s32 $0xFFFF8000  }
0x1c: {  	[hbm4b:s8+s3] =	stream.linear.scatter [tilespmem:s6], [sflag:$0x2], $0x8000, $0x38;
	[tilespmem:$0x8200] =	vst v63  }
0x1d: {  	_ =	swait.ge [sflag:s4], $0x8000  }
0x1e: {  	[sflag:s4] =	ssyncset.done $0x0  }
.LBB2_2:
0x1f: {  	[sflag:s4] =	ssyncadd.s32 $0xFFFF8000  }
0x20: {  	_ =	sfence.sel $0x180000  }
0x21: {  	[bflag:$0x0] =	sbarrier.arrive $0xFFFF  }
0x22: {  	p0 =	sne.s32 s0, $0x0;
	_ =	strace $0x90000047  }
0x23: {  	s0 =	sadd.s32 @!p0 $0x100000, s2;
	[bflag:$0x2] =	sbarrier.arrive $0xFFFF  }
0x24: {  	[sflag:s0] =	ssyncadd.tile.s32 @!p0 $0x1;
	_ =	shalt  }
.Lfunc_end2:
_tile_overlayer_lowered:
.L_overlay_start_2:
0x25: {  	(tag) =	ssettag $0x2  }
0x26: {  	s0 =	rddreg [dreg:$0x0];
	s2 =	stileid.u32  }
0x27: {  	s1 =	rddreg [dreg:$0x1];
	p0 =	sne.s32 s2, $0x0  }
0x28: {  	s3 =	rddreg [dreg:$0x2];
	[bflag:$0x3] =	sbarrier.arrive $0xFFFF;
	s2 =	simm.s32 @!p0 $0x1C02  }
0x29: {  	[timem:s3], [sflag:s2] =	dma.local @!p0 [hbm:s0], s1  }
0x2a: {  	s0 =	simm.s32 @!p0 $0x2  }
0x2b: {  	_ =	swait.ge @!p0 [sflag:s0], s1  }
0x2c: {  	s1 =	ssub.s32 @!p0 $0x0, s1;
	[sflag:s0] =	ssyncset.done @!p0 $0x0  }
0x2d: {  	[sflag:s0] =	ssyncadd.s32 @!p0 s1  }
0x2e: {  	[bflag:$0x3] =	sbarrier.arrive $0xFFFF  }
0x2f: {  	_ =	shalt  }

// kernel: kernel.8.cloned.1.call-start
scs
__scs_entry_jumppad:
0x0: {  	(pc) =	sbr.rel $0x88, $3  }
0x1: {  	(tag) =	ssettag $0x0;
	lr =	simm.s32 $0x1  }
0x2: {  	[smem:$0x3F9A] =	sst lr;
	_ =	strace $0xD0000000  }
0x3: {  	_ = 	snop  }
0x4: {  	_ = 	snop  }
0x5: {  	_ = 	snop  }
0x6: {  	_ = 	snop  }
0x7: {  	_ = 	snop  }
__scs_overlays_trampoline_lowered:
0x8: {  	[smem:$0x3FA9] =	sst s0  }
0x9: {  	[smem:$0x3FAA] =	sst s1  }
0xa: {  	[smem:$0x3FAB] =	sst s2  }
0xb: {  	[smem:$0x3FAC] =	sst s3  }
0xc: {  	[smem:$0x3FAD] =	sst s4  }
0xd: {  	[smem:$0x3FAE] =	sst s5  }
0xe: {  	[smem:$0x3FAF] =	sst s6  }
0xf: {  	[smem:$0x3FB0] =	sst s7  }
0x10: {  	[smem:$0x3FB1] =	sst s8  }
0x11: {  	[smem:$0x3FB2] =	sst s9;
	s0 =	simm.s32 @!p0 $0x0  }
0x12: {  	s1 =	sld [smem:$0x3F98];
	s0 =	simm.s32 @p0 $0x1  }
0x13: {  	[smem:$0x3FB3] =	sst s0;
	s0 =	simm.s32 @!p1 $0x0  }
0x14: {  	s2 =	sld [smem:$0x3F97];
	s0 =	simm.s32 @p1 $0x1  }
0x15: {  	[smem:$0x3FB4] =	sst s0;
	s0 =	simm.s32 @!p2 $0x0  }
0x16: {  	s3 =	sld [smem:$0x3FDB];
	s0 =	simm.s32 @p2 $0x1  }
0x17: {  	s4 =	simm.s32 $0x1BF5;
	[smem:$0x3FB6] =	sst s0  }
0x18: {  	s0 =	sld [smem:$0x3F99];
	_ =	swait.ge [sflag:s4], $0x0  }
0x19: {  	s7 =	sld [smem:$0x3F9A]  }
0x1a: {  	s8 =	sadd.s32 $0xFFFFE003, lr  }
0x1b: {  	s9 =	sadd.s32 $0xFFFFFEF7, lr;
	s5 =	simm.s32 $0xFFFFFFFF;
	p2 =	slt.u32 s8, $0xFFFFF086  }
0x1c: {  	p1 =	slt.u32 s9, $0xF7A;
	s5 =	simm.s32 @!p2 $0x0  }
0x1d: {  	s5 =	simm.s32 @p1 $0x1;
	p0 =	seq.s32 s7, s2  }
0x1e: {  	s7 =	smul.u32 @!p0 $0xF7A, s2;
	p2 =	seq.s32 @!p0 s5, $0x0  }
0x1f: {  	s9 =	smul.u32 $0xF7A, s1;
	s8 =	simm.s32 @!p0 $0x1BF5;
	p2 =	por !p2, p0  }
0x20: {  	[sflag:s8] =	ssyncset.s32 @!p0 $0xFFFFF086;
	s6 =	sadd.s32 @!p0 s3, s7;
	s7 =	simm.s32 @!p0 $0x108  }
0x21: {  	s3 =	sadd.s32 s3, s9;
	s6 =	sadd.s32 @!p0 $0x88, s6;
	s7 =	simm.s32 @p2 $0x1082  }
0x22: {  	[simem:s7], [sflag:s8] =	dma.local @!p0 [hbm:s6], $0xF7A  }
0x23: {  	s9 =	sor.u32 $0xD0000000, s2;
	s6 =	simm.s32 $0x108;
	_ =	swait.ge @!p0 [sflag:s8], $0x0  }
0x24: {  	s3 =	sadd.s32 $0x88, s3;
	s6 =	simm.s32 @!p1 $0x1082;
	[sflag:s4] =	ssyncset.s32 $0xFFFFF086  }
0x25: {  	[simem:s6], [sflag:s4] =	dma.local [hbm:s3], $0xF7A  }
0x26: {  	[smem:$0x3F9A] =	sst s1;
	(tag) =	ssettag s2;
	_ =	strace s9  }
0x27: {  	s1 =	sld [smem:$0x3FAA]  }
0x28: {  	s2 =	sld [smem:$0x3FAB]  }
0x29: {  	s4 =	sld [smem:$0x3FAD]  }
0x2a: {  	p0 =	seq.s32 s5, $0x0;
	s5 =	sld [smem:$0x3FAE]  }
0x2b: {  	s6 =	sld [smem:$0x3FAF]  }
0x2c: {  	s7 =	sld [smem:$0x3FB0]  }
0x2d: {  	s3 =	simm.s32 $0x108;
	s8 =	sld [smem:$0x3FB1]  }
0x2e: {  	s3 =	simm.s32 @!p0 $0x1082;
	s9 =	sld [smem:$0x3FB2]  }
0x2f: {  	lr =	sadd.s32 s0, s3;
	s0 =	sld [smem:$0x3FA9]  }
0x30: {  	s3 =	sld [smem:$0x3FAC]  }
0x31: {  	[smem:$0x3FB5] =	sst s10  }
0x32: {  	s10 =	sld [smem:$0x3FB3];
	_ =	sdelay $0x3  }
0x33: {  	p0 =	seq.s32 s10, $0x1;
	s10 =	sld [smem:$0x3FB5];
	_ =	sdelay $0x3  }
0x34: {  	[smem:$0x3FB5] =	sst s10  }
0x35: {  	s10 =	sld [smem:$0x3FB4];
	_ =	sdelay $0x3  }
0x36: {  	p1 =	seq.s32 s10, $0x1;
	s10 =	sld [smem:$0x3FB5];
	_ =	sdelay $0x3  }
0x37: {  	[smem:$0x3FB5] =	sst s10  }
0x38: {  	s10 =	sld [smem:$0x3FB6]  }
0x39: {  	_ = 	snop;
	(pc) =	sbr.ind lr, $3  }
0x3a: {  	_ = 	snop  }
0x3b: {  	_ = 	snop  }
0x3c: {  	p2 =	seq.s32 s10, $0x1;
	s10 =	sld [smem:$0x3FB5]  }
0x3d: {  	_ =	shalt  }
0x3e: {  	_ =	shalt  }
0x3f: {  	_ =	shalt  }
0x40: {  	_ =	shalt  }
0x41: {  	_ =	shalt  }
0x42: {  	_ =	shalt  }
0x43: {  	_ =	shalt  }
0x44: {  	_ =	shalt  }
0x45: {  	_ =	shalt  }
0x46: {  	_ =	shalt  }
0x47: {  	_ =	shalt  }
0x48: {  	_ =	shalt  }
0x49: {  	_ =	shalt  }
0x4a: {  	_ =	shalt  }
0x4b: {  	_ =	shalt  }
0x4c: {  	_ =	shalt  }
0x4d: {  	_ =	shalt  }
0x4e: {  	_ =	shalt  }
0x4f: {  	_ =	shalt  }
0x50: {  	_ =	shalt  }
0x51: {  	_ =	shalt  }
0x52: {  	_ =	shalt  }
0x53: {  	_ =	shalt  }
0x54: {  	_ =	shalt  }
0x55: {  	_ =	shalt  }
0x56: {  	_ =	shalt  }
0x57: {  	_ =	shalt  }
0x58: {  	_ =	shalt  }
0x59: {  	_ =	shalt  }
0x5a: {  	_ =	shalt  }
0x5b: {  	_ =	shalt  }
0x5c: {  	_ =	shalt  }
0x5d: {  	_ =	shalt  }
0x5e: {  	_ =	shalt  }
0x5f: {  	_ =	shalt  }
0x60: {  	_ =	shalt  }
0x61: {  	_ =	shalt  }
0x62: {  	_ =	shalt  }
0x63: {  	_ =	shalt  }
0x64: {  	_ =	shalt  }
0x65: {  	_ =	shalt  }
0x66: {  	_ =	shalt  }
0x67: {  	_ =	shalt  }
0x68: {  	_ =	shalt  }
0x69: {  	_ =	shalt  }
0x6a: {  	_ =	shalt  }
0x6b: {  	_ =	shalt  }
0x6c: {  	_ =	shalt  }
0x6d: {  	_ =	shalt  }
0x6e: {  	_ =	shalt  }
0x6f: {  	_ =	shalt  }
0x70: {  	_ =	shalt  }
0x71: {  	_ =	shalt  }
0x72: {  	_ =	shalt  }
0x73: {  	_ =	shalt  }
0x74: {  	_ =	shalt  }
0x75: {  	_ =	shalt  }
0x76: {  	_ =	shalt  }
0x77: {  	_ =	shalt  }
0x78: {  	_ =	shalt  }
0x79: {  	_ =	shalt  }
0x7a: {  	_ =	shalt  }
0x7b: {  	_ =	shalt  }
0x7c: {  	_ =	shalt  }
0x7d: {  	_ =	shalt  }
0x7e: {  	_ =	shalt  }
0x7f: {  	_ =	shalt  }
0x80: {  	_ =	shalt  }
0x81: {  	_ =	shalt  }
0x82: {  	_ =	shalt  }
0x83: {  	_ =	shalt  }
0x84: {  	_ =	shalt  }
0x85: {  	_ =	shalt  }
0x86: {  	_ =	shalt  }
0x87: {  	_ =	shalt  }
.Lfunc_end0:
.L_simem_size_0:
called_computation.2_lowered:
.L_overlay_start_0:
0x88: {  	s2 =	sld [smem:$0x3FD9]  }
0x89: {  	s3 =	sld [smem:$0x3FFE];
	_ =	sdelay $0x1  }
0x8a: {  	s1 =	srdreg.scid  }
0x8b: {  	s0 =	sand.u32 $0x1, s1  }
0x8c: {  	s14 =	sshll.u32 s0, $0xA;
	s2 =	sadd.s32 s3, s2  }
0x8d: {  	s2 =	sadd.s32 s2, s14  }
0x8e: {  	[smem:$0x3FC1] =	sst s2  }
0x8f: {  	_ = 	snop  }
0x90: {  	s2 =	sld [smem:$0x3FD0];
	_ =	sdelay $0x2  }
0x91: {  	s4 =	simm.s32 $0xA;
	s5 =	simm.s32 $0x10;
	s15 =	sld [smem:$0x3FC9]  }
0x92: {  	[smem:s5], [sflag:s4] =	dma.local [hbm:s2], $0x1  }
0x93: {  	_ =	swait.eq [sflag:s4], $0x1  }
0x94: {  	[sflag:s4] =	ssyncset.done $0x0  }
0x95: {  	s16 =	sld [smem:$0x10];
	[sflag:s4] =	ssyncadd.s32 $0xFFFFFFFF  }
0x96: {  	s17 =	sld [smem:$0x11];
	(tm) =	ssettm $0x1  }
0x97: {  	s18 =	sld [smem:$0x3FFB];
	_ =	sdelay $0x3  }
0x98: {  	_ =	strace s18  }
0x99: {  	s5 =	sld [smem:$0x3FFC];
	_ =	sdelay $0x3  }
0x9a: {  	_ =	strace s5  }
0x9b: {  	s5 =	sld [smem:$0x3FFD];
	_ =	sdelay $0x3  }
0x9c: {  	_ =	strace s5  }
0x9d: {  	_ =	strace $0x8FFFFFFF  }
0x9e: {  	s19 =	sld [smem:$0x3FDB];
	_ =	sdelay $0x1  }
0x9f: {  	s6 =	simm.s32 $_scs_section_size  }
0xa0: {  	s7 =	simm.s32 $_size__tile_overlayer_lowered;
	s8 =	simm.s32 $_tile_overlayer_lowered  }
0xa1: {  	s22 =	simm.s32 $0x1BFF;
	s21 =	sshll.u32 s8, $0x1;
	s5 =	sadd.s32 s6, s19  }
0xa2: {  	s9 =	simm.s32 $0x0;
	s20 =	sshll.u32 s7, $0x1;
	s7 =	sadd.s32 s21, s5  }
0xa3: {  	[timem:s9], [sflag:s22] =	dma.local [hbm:s7], s20  }
0xa4: {  	_ =	swait.ge [sflag:s22], s20  }
0xa5: {  	s6 =	ssub.s32 $0x0, s20;
	[sflag:s22] =	ssyncset.done $0x0  }
0xa6: {  	[sflag:s22] =	ssyncadd.s32 s6;
	_ =	sdelay $0x1  }
0xa7: {  	s23 =	simm.s32 $0x1B8B  }
0xa8: {  	_ =	swait.ge [sflag:s23], $0x1  }
0xa9: {  	[sflag:s23] =	ssyncset.done $0x0  }
0xaa: {  	s25 =	simm.s32 $0x1B8E;
	s24 =	sld [smem:$0x3FFE];
	[sflag:s23] =	ssyncadd.s32 $0xFFFFFFFF  }
0xab: {  	s26 =	simm.s32 $execute0_lowered;
	[smem:$0x3FD2] =	sst s25  }
0xac: {  	s7 =	sshll.u32 s26, $0x1;
	_ =	strace $0x80000049;
	[dreg:$0x1] =	wrdreg $0xFFFFFFFF  }
0xad: {  	s28 =	simm.s32 $_size_execute0_lowered;
	s5 =	sadd.s32 s5, s7;
	[dreg:$0x0] =	wrdreg $0x0  }
0xae: {  	s7 =	sshll.u32 s28, $0x1;
	[dreg:$0x2] =	wrdreg s5  }
0xaf: {  	[dreg:$0x3] =	wrdreg s7  }
0xb0: {  	[dreg:$0x4] =	wrdreg $0xC0  }
0xb1: {  	_ =	task [dreg:s9], $0x5FFFF  }
0xb2: {  	[dreg:$0x1] =	wrdreg $0xFFFFFFFF  }
0xb3: {  	[dreg:$0x0] =	wrdreg $0x60  }
0xb4: {  	[dreg:$0x2] =	wrdreg s17  }
0xb5: {  	[dreg:$0x3] =	wrdreg s16  }
0xb6: {  	[dreg:$0x4] =	wrdreg s15  }
0xb7: {  	[dreg:$0x5] =	wrdreg s24  }
0xb8: {  	[dreg:$0x6] =	wrdreg $0x19A280  }
0xb9: {  	[dreg:$0x7] =	wrdreg $0x1B9680  }
0xba: {  	[dreg:$0x8] =	wrdreg $0x9  }
0xbb: {  	_ =	task.clear_ibuf [dreg:s9], $0x9FFFF;
	_ =	strace $0x90000049  }
0xbc: {  	s29 =	simm.s32 $0x9;
	_ =	strace $0x8000004B  }
0xbd: {  	_ =	swait.ge [sflag:s29], $0x1  }
0xbe: {  	[sflag:s29] =	ssyncadd.s32 $0xFFFFFFFF  }
0xbf: {  	_ =	strace $0x9000004B  }
0xc0: {  	_ =	sfence  }
0xc1: {  	s30 =	sld [smem:$0x0];
	_ =	sdelay $0x2  }
0xc2: {  	s31 =	sshll.u32 s1, $0xD;
	s1 =	sshrl.u32 s1, $0x2  }
0xc3: {  	s3 =	sand.u32 $0x4000, s31;
	s1 =	sadd.s32 s1, s30  }
0xc4: {  	s0 =	sor.u32 s3, s0;
	s1 =	sshll.u32 s1, $0x11  }
0xc5: {  	s0 =	sor.u32 s1, s0  }
0xc6: {  	s0 =	sadd.s32 $0x8F2B, s0  }
0xc7: {  	[sflag:s0] =	ssyncadd.remote.s32 $0x1  }
0xc8: {  	_ =	sfence.sel $0xFFFF  }
0xc9: {  	[dreg:$0x0] =	wrdreg $0xFFFFFFFF;
	(pc) =	sbr.abs _section_cstart, $3  }
0xca: {  	[dreg:$0x1] =	wrdreg $0xFFFFFFFF  }
0xcb: {  	_ =	task.clear_ibuf [dreg:s9], $0x2FFFF;
	_ =	strace $0x9FFFFFFF  }
0xcc: {  	(tm) =	ssettm $0x7FFFFFFF  }
0xcd: {  	_ =	shalt  }
tec
execute0_lowered:
.L_overlay_start_1:
0x0: {  	(tag) =	ssettag $0x1  }
0x1: {  	s10 =	rddreg [dreg:$0x0]  }
0x2: {  	s2 =	rddreg [dreg:$0x1]  }
0x3: {  	s0 =	rddreg [dreg:$0x3]  }
0x4: {  	s1 =	rddreg [dreg:$0x4]  }
0x5: {  	s3 =	rddreg [dreg:$0x5];
	s5 =	simm.s32 $0x0;
	s4 =	srdreg.scid  }
0x6: {  	s11 =	stileid.u32;
	s19 =	simm.s32 $0x1;
	s21 =	simm.s32 $0x19A18  }
0x7: {  	s22 =	simm.s32 $0x4000;
	s28 =	simm.s32 $0x4;
	s29 =	simm.s32 $0x13A18  }
0x8: {  	s30 =	simm.s32 $0x80;
	s31 =	simm.s32 $0x17A18;
	[smem:$0x7FF] =	sst s5  }
0x9: {  	s4 =	sand.u32 $0x1, s4;
	s23 =	sshll.u32 s11, $0x1;
	s24 =	smul.u32 $0x1F40, s11  }
0xa: {  	s6 =	sadd.s32 $0x41800, s0;
	s14 =	sshll.u32 s11, $0x6;
	s7 =	ssub.s32 $0x2, s4  }
0xb: {  	s4 =	sor.u32 s4, s23;
	_ =	strace $0x8000004A;
	s11 =	sor.u32 $0x1C01, s14  }
0xc: {  	s20 =	smov.u32 s14;
	s23 =	simm.s32 $0xBA18;
	s9 =	smul.u32 $0x1E8480, s4  }
0xd: {  	s8 =	sshrl.u32 s7, $0x1;
	s26 =	smul.u32 $0x3D090, s4;
	s12 =	sadd.s32 s24, s1  }
0xe: {  	s3 =	sadd.s32 s24, s3;
	s25 =	ssub.s32 s7, s8;
	s7 =	smul.u32 $0x7A12, s4  }
0xf: {  	v0 =	vimm.s32 $0xFFEDCBA9;
	v1 =	vimm.s32 $0x87654321;
	s16 =	smov.u32 s12;
	s15 =	sshrl.u32 s12, $0x3;
	s17 =	sshrl.u32 s3, $0x3  }
0x10: {  	v0 =	vunpack.c.l.s4.s8 v0;
	v1 =	vunpack.c.l.s4.s8 v1;
	s3 =	simm.s32 $0x0;
	s13 =	sshrl.u32 s9, $0x3;
	s8 =	sadd.s32 s10, s26  }
0x11: {  	s0 =	smax.u32 s25, $0x1;
	s25 =	sor.u32 $0x1C02, s14;
	[dreg:$0x7] =	wrdreg s8  }
.Ltmp0:
0x12: {  	v2 =	vunpack.c.0.s8.s32 v0;
	v1 =	vunpack.c.0.s8.s32 v1;
	s26 =	sor.u32 $0x1C03, s14;
	[dreg:$0xa] =	wrdreg s0;
	(pc) =	sbr.rel .LBB2_1-.Ltmp0, $4  }
0x13: {  	s1 =	sadd.s32 s10, s13;
	s18 =	sadd.s32 $0x7A12, s7;
	[dreg:$0xb] =	wrdreg s25  }
0x14: {  	v0 =	vlaneseq.u32;
	v4 =	vcombine.low v1, v2;
	s24 =	sadd.s32 $0x177, s7;
	[dreg:$0xc] =	wrdreg s26;
	s25 =	simm.s32 $0x3  }
0x15: {  	vm0 =	vcmask $0x3F3C;
	v5 =	vimm.s32 $0x0;
	v3 =	vor.u32 $0x80000000, v0;
	s26 =	simm.s32 $0x2;
	s1 =	sadd.s32 $0x3E8, s1;
	[dreg:$0x9] =	wrdreg s24  }
0x16: {  	v2 =	vmov s7;
	s0 =	simm.s32 $0x5;
	s24 =	simm.s32 $0xFA18;
	v1 =	vmov s18;
	v4 =	vand.u32 $0xF, v4;
	[dreg:$0x8] =	wrdreg s1  }
.LBB2_22:
0x17: {  	[sflag:s0] =	ssyncadd.s32 $0xFFFFE000;
	s3 =	rddreg [dreg:$0xd]  }
.LBB2_23:
0x18: {  	s3 =	sadd.s32 $0x1, s3;
	s1 =	rddreg [dreg:$0xa]  }
0x19: {  	p0 =	sne.s32 s3, s1  }
.Ltmp1:
0x1a: {  	_ = 	snop;
	(pc) =	sbr.rel @!p0 .LBB2_24-.Ltmp1, $1  }
0x1b: {  	_ =	sdelay $0x3  }
.LBB2_1:
0x1c: {  	[dreg:$0xd] =	wrdreg s3  }
0x1d: {  	s1 =	rddreg [dreg:$0x7]  }
0x1e: {  	[spmem:s15], [sflag:s11] =	dma.local [hbm:s1], $0x3E8  }
0x1f: {  	s1 =	rddreg [dreg:$0x8]  }
0x20: {  	s13 =	rddreg [dreg:$0xb]  }
0x21: {  	[spmem:s17], [sflag:s13] =	dma.local [hbm:s1], $0x3E8  }
0x22: {  	s14 =	simm.s32 $0x0;
	s18 =	simm.s32 $0x6;
	s1 =	rddreg [dreg:$0x2]  }
0x23: {  	[tilespmem:s14], [sflag:$0x6] =	stream.linear.gather [hbm4b:s1+s14], $0x4000, $0x38;
	[tilespmem:$0x1D8A8] =	vst v63  }
0x24: {  	_ =	swait.ge [sflag:s18], $0x4000  }
0x25: {  	s3 =	simm.s32 $0x5;
	s10 =	simm.s32 $0x0;
	[sflag:s18] =	ssyncset.done $0x0  }
0x26: {  	s8 =	simm.s32 $0x0;
	v6 =	vimm.s32 $0x0;
	s12 =	simm.s32 $0x0;
	[sflag:s18] =	ssyncadd.s32 $0xFFFFC000  }
.LBB2_2:
0x27: {  	s14 =	smul.u32 $0xFA, s12;
	_ =	sdelay $0x1  }
0x28: {  	_ =	swait.ge [sflag:s19], $0x3E8;
	s1 =	sadd.s32 s7, s14  }
0x29: {  	[sflag:s19] =	ssyncset.done $0x0;
	s1 =	sshll.u32 s1, $0x3  }
0x2a: {  	s4 =	rddreg [dreg:$0xc];
	[sflag:s19] =	ssyncadd.s32 $0xFFFFFC18;
	s1 =	sadd.s32 s6, s1  }
0x2b: {  	[hbm:s1], [sflag:s4] =	dma.local [spmem:s15], $0x3E8  }
0x2c: {  	s1 =	sshllo.u32 s12, $0x1  }
0x2d: {  	s4 =	smul.u32 $0x5, s1  }
0x2e: {  	s5 =	smul.u32 $0xA, s12  }
0x2f: {  	s18 =	smin.u32 s4, $0x400  }
0x30: {  	p0 =	sge.u32 s5, s18  }
.Ltmp2:
0x31: {  	_ = 	snop;
	(pc) =	sbr.rel @p0 .LBB2_6-.Ltmp2, $1  }
0x32: {  	_ =	sdelay $0x3  }
0x33: {  	v7 =	vld [tilespmem:s8+$0x0];
	_ =	sdelay $0x4  }
0x34: {  	v8 =	vsub.s32 v7, v2  }
0x35: {  	vm1 =	vge.s32 v7, v2;
	vm2 =	vlt.s32 v7, v1;
	v7 =	vshll.u32 v8, $0x4  }
0x36: {  	vm1 =	vmand vm1, vm2;
	v7 =	vxor.u32 v3, v7  }
0x37: {  	v8 =	vor.u32 s10, v0;
	v7 =	vnsel vm1, $0xFF000000, v7  }
0x38: {  	(xrf1) =	vsort.ascd.msk.u32 $0xffff, v7, v8;
	_ =	sdelay $0xd  }
0x39: {  	v7, v8, _ =	vpop (xrf1)  }
0x3a: {  	v7 =	vxor.u32 $0x80000000, v7  }
0x3b: {  	[tilespmem:$0x19A18] =	vst v7  }
0x3c: {  	v9 =	vld.idx.msk [tilespmem:v4+s21+$0x0], $0xffff;
	_ =	sdelay $0x4  }
0x3d: {  	v10 =	vshrl.u32 v7, $0x4;
	v9 =	vshrl.u32 v9, $0x4  }
0x3e: {  	vm1 =	vne.s32 v9, v10  }
0x3f: {  	vm2 =	vlt.s32 v7, $0x7F000000;
	vm1 =	vmor vm1, vm0  }
0x40: {  	vm1 =	vmand vm2, vm1  }
0x41: {  	v7 =	vsel vm1, $0x1, v5  }
0x42: {  	(xrf0) =	vadd.scan.msk.s32 $0xffff, v7;
	_ =	sdelay $0x5  }
0x43: {  	v7, _, _ =	vpop (xrf0)  }
0x44: {  	v7 =	vadd.s32 v7, v6  }
0x45: {  	s13 =	sadd.s32 $0x1, s5;
	v9 =	vnsel vm1, $0x0, v10;
	v7 =	vadd.s32 $0xFFFFFFFF, v7  }
0x46: {  	p0 =	slt.u32 s13, s18;
	v7 =	vnsel vm1, $0x0, v7  }
.Ltmp3:
0x47: {  	_ = 	snop;
	(pc) =	sbr.rel @!p0 .LBB2_5-.Ltmp3, $4  }
0x48: {  	_ = 	snop  }
0x49: {  	v11 =	vmpcnt.ones.xlane vm1;
	v10 =	vadd.s32 v2, v10  }
0x4a: {  	[tilespmem:v9+s22+$0x0] =	vst.idx.msk vm1, v8;
	v8 =	vnsel vm1, $0x0, v10  }
0x4b: {  	s9 =	smov.u32 s8;
	s5 =	smov.u32 s10;
	v6 =	vadd.s32 v6, v11;
	[tilespmem:v7+s23+$0x0] =	vst.idx.msk vm1, v8  }
.LBB2_4:
0x4c: {  	s13 =	sadd.s32 $0x1, s13;
	[tilespmem:v7+s24+$0x0] =	vst.idx.msk vm1, v8;
	s9 =	sadd.s32 $0x10, s9;
	s5 =	sadd.s32 $0x10, s5;
	v7 =	vmov v6  }
0x4d: {  	v8 =	vld [tilespmem:s9+$0x0];
	p0 =	slt.u32 s13, s18;
	_ =	sdelay $0x4  }
0x4e: {  	vm1 =	vge.s32 v8, v2;
	vm2 =	vlt.s32 v8, v1;
	v8 =	vsub.s32 v8, v2  }
0x4f: {  	vm1 =	vmand vm1, vm2;
	v8 =	vshll.u32 v8, $0x4  }
0x50: {  	v8 =	vxor.u32 v3, v8  }
0x51: {  	v9 =	vor.u32 s5, v0;
	v8 =	vnsel vm1, $0xFF000000, v8  }
0x52: {  	(xrf1) =	vsort.ascd.msk.u32 $0xffff, v8, v9;
	_ =	sdelay $0xd  }
0x53: {  	v8, v9, _ =	vpop (xrf1)  }
0x54: {  	v8 =	vxor.u32 $0x80000000, v8  }
0x55: {  	[tilespmem:$0x19A18] =	vst v8  }
0x56: {  	v10 =	vld.idx.msk [tilespmem:v4+s21+$0x0], $0xffff;
	_ =	sdelay $0x5  }
0x57: {  	v11 =	vshrl.u32 v8, $0x4;
	v10 =	vshrl.u32 v10, $0x4  }
0x58: {  	vm1 =	vne.s32 v10, v11  }
0x59: {  	vm2 =	vlt.s32 v8, $0x7F000000;
	vm1 =	vmor vm1, vm0  }
0x5a: {  	vm1 =	vmand vm2, vm1  }
0x5b: {  	v8 =	vnsel vm1, $0x0, v11;
	v10 =	vsel vm1, $0x1, v5;
	v12 =	vmpcnt.ones.xlane vm1  }
0x5c: {  	(xrf0) =	vadd.scan.msk.s32 $0xffff, v10  }
0x5d: {  	v6 =	vadd.s32 v6, v12;
	_ =	sdelay $0x2  }
0x5e: {  	[tilespmem:v8+s22+$0x0] =	vst.idx.msk vm1, v9;
	_ =	sdelay $0x1  }
0x5f: {  	v8, _, _ =	vpop (xrf0)  }
0x60: {  	v7 =	vadd.s32 v8, v7  }
0x61: {  	v7 =	vadd.s32 $0xFFFFFFFF, v7  }
0x62: {  	v7 =	vnsel vm1, $0x0, v7  }
.Ltmp4:
0x63: {  	(pc) =	sbr.rel @p0 .LBB2_4-.Ltmp4, $4  }
0x64: {  	_ = 	snop  }
0x65: {  	v8 =	vadd.s32 v2, v11  }
0x66: {  	v8 =	vnsel vm1, $0x0, v8  }
0x67: {  	[tilespmem:v7+s23+$0x0] =	vst.idx.msk vm1, v8  }
.LBB2_5:
0x68: {  	_ =	sdelay $0x4  }
0x69: {  	[tilespmem:v7+s24+$0x0] =	vst.idx.msk vm1, v8  }
.LBB2_6:
0x6a: {  	s5 =	sshll.u32 s12, $0x1  }
0x6b: {  	p0 =	seq.s32 s12, $0x7C;
	s5 =	sadd.s32 $0x2, s5  }
0x6c: {  	s9 =	smul.u32 @!p0 $0x7D, s5  }
0x6d: {  	_ =	swait.ge [sflag:s25], $0x3E8  }
0x6e: {  	[sflag:s25] =	ssyncset.done $0x0;
	s9 =	sadd.s32 @!p0 s7, s9  }
0x6f: {  	s1 =	smul.u32 $0x7D, s1;
	[sflag:s25] =	ssyncadd.s32 $0xFFFFFC18;
	s9 =	sshll.u32 @!p0 s9, $0x3  }
0x70: {  	s13 =	rddreg [dreg:$0x0];
	s9 =	sand.u32 @!p0 $0x1FFFFFF0, s9  }
0x71: {  	s1 =	sadd.s32 s7, s1;
	s9 =	sadd.s32 @!p0 s13, s9;
	s13 =	sshrl.u32 @!p0 s16, $0x3  }
0x72: {  	[spmem:s13], [sflag:s11] =	dma.local @!p0 [hbm:s9], $0x3E8  }
0x73: {  	s1 =	sshll.u32 s1, $0x3;
	_ =	swait.ge [sflag:s26], $0x3E8  }
0x74: {  	s5 =	smul.u32 $0x5, s5;
	s1 =	sand.u32 $0x1FFFFFF8, s1;
	[sflag:s26] =	ssyncset.done $0x0  }
0x75: {  	s1 =	sadd.s32 s6, s1;
	s13 =	sor.u32 $0x1C04, s20;
	[sflag:s26] =	ssyncadd.s32 $0xFFFFFC18  }
0x76: {  	[hbm:s1], [sflag:s13] =	dma.local [spmem:s17], $0x3E8  }
0x77: {  	s1 =	smin.u32 s5, $0x400  }
0x78: {  	p1 =	sge.u32 s4, s1  }
.Ltmp5:
0x79: {  	_ = 	snop;
	(pc) =	sbr.rel @p1 .LBB2_10-.Ltmp5, $1  }
0x7a: {  	_ =	sdelay $0x3  }
0x7b: {  	s4 =	smin.u32 s3, $0x400  }
0x7c: {  	s4 =	sshll.u32 s4, $0x4  }
0x7d: {  	v7 =	vld [tilespmem:s4+$0x0];
	_ =	sdelay $0x4  }
0x7e: {  	v8 =	vsub.s32 v7, v2  }
0x7f: {  	vm1 =	vge.s32 v7, v2;
	vm2 =	vlt.s32 v7, v1;
	v7 =	vshll.u32 v8, $0x4  }
0x80: {  	vm1 =	vmand vm1, vm2;
	v7 =	vxor.u32 v3, v7  }
0x81: {  	v8 =	vor.u32 s4, v0;
	v7 =	vnsel vm1, $0xFF000000, v7  }
0x82: {  	(xrf1) =	vsort.ascd.msk.u32 $0xffff, v7, v8;
	_ =	sdelay $0xd  }
0x83: {  	v7, v8, _ =	vpop (xrf1)  }
0x84: {  	v7 =	vxor.u32 $0x80000000, v7  }
0x85: {  	[tilespmem:$0x19A18] =	vst v7  }
0x86: {  	v9 =	vld.idx.msk [tilespmem:v4+s21+$0x0], $0xffff;
	_ =	sdelay $0x4  }
0x87: {  	v10 =	vshrl.u32 v7, $0x4;
	v9 =	vshrl.u32 v9, $0x4  }
0x88: {  	vm1 =	vne.s32 v9, v10  }
0x89: {  	vm2 =	vlt.s32 v7, $0x7F000000;
	vm1 =	vmor vm1, vm0  }
0x8a: {  	vm1 =	vmand vm2, vm1  }
0x8b: {  	v7 =	vsel vm1, $0x1, v5  }
0x8c: {  	(xrf0) =	vadd.scan.msk.s32 $0xffff, v7;
	_ =	sdelay $0x5  }
0x8d: {  	v7, _, _ =	vpop (xrf0)  }
0x8e: {  	v7 =	vadd.s32 v7, v6  }
0x8f: {  	s13 =	sadd.s32 $0x1, s18;
	v9 =	vnsel vm1, $0x0, v10;
	v7 =	vadd.s32 $0xFFFFFFFF, v7  }
0x90: {  	p1 =	slt.u32 s13, s1;
	v7 =	vnsel vm1, $0x0, v7  }
.Ltmp6:
0x91: {  	_ = 	snop;
	(pc) =	sbr.rel @!p1 .LBB2_9-.Ltmp6, $4  }
0x92: {  	_ = 	snop  }
0x93: {  	v11 =	vmpcnt.ones.xlane vm1;
	v10 =	vadd.s32 v2, v10  }
0x94: {  	[tilespmem:v9+s22+$0x0] =	vst.idx.msk vm1, v8;
	v8 =	vnsel vm1, $0x0, v10  }
0x95: {  	s5 =	smov.u32 s4;
	v6 =	vadd.s32 v6, v11;
	[tilespmem:v7+s23+$0x0] =	vst.idx.msk vm1, v8  }
.LBB2_8:
0x96: {  	s13 =	sadd.s32 $0x1, s13;
	[tilespmem:v7+s24+$0x0] =	vst.idx.msk vm1, v8;
	s4 =	sadd.s32 $0x10, s4;
	s5 =	sadd.s32 $0x10, s5;
	v7 =	vmov v6  }
0x97: {  	v8 =	vld [tilespmem:s4+$0x0];
	p1 =	slt.u32 s13, s1;
	_ =	sdelay $0x4  }
0x98: {  	vm1 =	vge.s32 v8, v2;
	vm2 =	vlt.s32 v8, v1;
	v8 =	vsub.s32 v8, v2  }
0x99: {  	vm1 =	vmand vm1, vm2;
	v8 =	vshll.u32 v8, $0x4  }
0x9a: {  	v8 =	vxor.u32 v3, v8  }
0x9b: {  	v9 =	vor.u32 s5, v0;
	v8 =	vnsel vm1, $0xFF000000, v8  }
0x9c: {  	(xrf1) =	vsort.ascd.msk.u32 $0xffff, v8, v9;
	_ =	sdelay $0xd  }
0x9d: {  	v8, v9, _ =	vpop (xrf1)  }
0x9e: {  	v8 =	vxor.u32 $0x80000000, v8  }
0x9f: {  	[tilespmem:$0x19A18] =	vst v8  }
0xa0: {  	v10 =	vld.idx.msk [tilespmem:v4+s21+$0x0], $0xffff;
	_ =	sdelay $0x5  }
0xa1: {  	v11 =	vshrl.u32 v8, $0x4;
	v10 =	vshrl.u32 v10, $0x4  }
0xa2: {  	vm1 =	vne.s32 v10, v11  }
0xa3: {  	vm2 =	vlt.s32 v8, $0x7F000000;
	vm1 =	vmor vm1, vm0  }
0xa4: {  	vm1 =	vmand vm2, vm1  }
0xa5: {  	v8 =	vnsel vm1, $0x0, v11;
	v10 =	vsel vm1, $0x1, v5;
	v12 =	vmpcnt.ones.xlane vm1  }
0xa6: {  	(xrf0) =	vadd.scan.msk.s32 $0xffff, v10  }
0xa7: {  	v6 =	vadd.s32 v6, v12;
	_ =	sdelay $0x2  }
0xa8: {  	[tilespmem:v8+s22+$0x0] =	vst.idx.msk vm1, v9;
	_ =	sdelay $0x1  }
0xa9: {  	v8, _, _ =	vpop (xrf0)  }
0xaa: {  	v7 =	vadd.s32 v8, v7  }
0xab: {  	v7 =	vadd.s32 $0xFFFFFFFF, v7  }
0xac: {  	v7 =	vnsel vm1, $0x0, v7  }
.Ltmp7:
0xad: {  	(pc) =	sbr.rel @p1 .LBB2_8-.Ltmp7, $4  }
0xae: {  	_ = 	snop  }
0xaf: {  	v8 =	vadd.s32 v2, v11  }
0xb0: {  	v8 =	vnsel vm1, $0x0, v8  }
0xb1: {  	[tilespmem:v7+s23+$0x0] =	vst.idx.msk vm1, v8  }
.LBB2_9:
0xb2: {  	_ =	sdelay $0x4  }
0xb3: {  	[tilespmem:v7+s24+$0x0] =	vst.idx.msk vm1, v8  }
.LBB2_10:
.Ltmp8:
0xb4: {  	(pc) =	sbr.rel @p0 .LBB2_12-.Ltmp8, $4  }
0xb5: {  	_ = 	snop  }
0xb6: {  	_ =	swait.ge [sflag:s28], $0x3E8  }
0xb7: {  	[sflag:s28] =	ssyncset.done $0x0  }
0xb8: {  	[sflag:s28] =	ssyncadd.s32 $0xFFFFFC18  }
0xb9: {  	s1 =	rddreg [dreg:$0x9]  }
.Ltmp9:
0xba: {  	s4 =	rddreg [dreg:$0x0];
	s1 =	sadd.s32 s14, s1;
	(pc) =	sbr.rel .LBB2_2-.Ltmp9, $4  }
0xbb: {  	s18 =	rddreg [dreg:$0xb];
	s1 =	sshll.u32 s1, $0x3  }
0xbc: {  	s12 =	sadd.s32 $0x1, s12;
	s8 =	sadd.s32 $0xA0, s8;
	s1 =	sand.u32 $0x1FFFFFF8, s1  }
0xbd: {  	s10 =	sadd.s32 $0xA0, s10;
	s3 =	sadd.s32 $0xA, s3;
	s1 =	sadd.s32 s4, s1  }
0xbe: {  	[spmem:s17], [sflag:s18] =	dma.local [hbm:s1], $0x3E8  }
.LBB2_12:
0xbf: {  	v6 =	vxor.u32 $0x80000000, v6  }
0xc0: {  	(xrf0) =	vmax.scan.msk.u32 $0xffff, v6;
	_ =	sdelay $0x5  }
0xc1: {  	v6, _, _ =	vpop (xrf0)  }
0xc2: {  	(v2sf) =	vpush v6, $0xF;
	_ =	sdelay $0xe  }
0xc3: {  	s1 =	spop (v2sf)  }
0xc4: {  	s3 =	sadd.s32 $0x8000000F, s1  }
0xc5: {  	s5 =	sshra.s32 s3, $0x4  }
0xc6: {  	p0 =	slt.s32 s5, $0x1  }
.Ltmp10:
0xc7: {  	_ = 	snop;
	(pc) =	sbr.rel @p0 .LBB2_19-.Ltmp10, $2  }
0xc8: {  	_ =	sdelay $0x2  }
0xc9: {  	s3 =	sxor.u32 $0x80000000, s1  }
0xca: {  	p1 =	sne.s32 s5, $0x1  }
.Ltmp11:
0xcb: {  	_ = 	snop;
	(pc) =	sbr.rel @!p1 .LBB2_14-.Ltmp11, $3  }
0xcc: {  	_ =	sdelay $0x1  }
0xcd: {  	s8 =	simm.s32 $0xBA18  }
0xce: {  	v6 =	vmov s3;
	s4 =	simm.s32 $0x0;
	s5 =	sadd.s32 $0xFFFFFFFF, s5;
	p0 =	por $0x0, $0x0;
	v7 =	vld [tilespmem:s8+$0x0]  }
0xcf: {  	_ =	sdelay $0x2  }
0xd0: {  	v8 =	vor.u32 s4, v0  }
0xd1: {  	vm1 =	vlt.s32 v8, v6;
	v7 =	vsub.s32 v7, v2  }
0xd2: {  	v7 =	vnsel vm1, $0x0, v7;
	_ =	sdelay $0x4  }
0xd3: {  	v8 =	vnsel vm1, $0x0, v8;
	v7 =	vld.idx.msk [tilespmem:v7+s22+$0x0], vm1  }
0xd4: {  	p1 =	sne.s32 s5, $0x1  }
.Ltmp12:
0xd5: {  	_ = 	snop;
	(pc) =	sbr.rel @!p1 .LBB2_16-.Ltmp12, $3  }
0xd6: {  	_ =	sdelay $0x1  }
0xd7: {  	s8 =	simm.s32 $0xBA28;
	[tilespmem:v8+s29+$0x0] =	vst.idx.msk vm1, v7  }
0xd8: {  	s9 =	sadd.s32 $0xFFFFFFFF, s5;
	p0 =	por $0x1, $0x1;
	s5 =	simm.s32 $0x0;
	v7 =	vld [tilespmem:s8+$0x0]  }
.LBB2_17:
0xd9: {  	p1 =	sne.s32 s9, $0x1;
	_ =	sdelay $0x1  }
0xda: {  	s5 =	sadd.s32 $0x10, s5  }
0xdb: {  	v8 =	vor.u32 s5, v0  }
0xdc: {  	vm1 =	vlt.s32 v8, v6;
	v7 =	vsub.s32 v7, v2  }
0xdd: {  	v7 =	vnsel vm1, $0x0, v7;
	_ =	sdelay $0x4  }
0xde: {  	v7 =	vld.idx.msk [tilespmem:v7+s22+$0x0], vm1  }
0xdf: {  	v8 =	vnsel vm1, $0x0, v8;
	_ =	sdelay $0x1  }
.Ltmp13:
0xe0: {  	(pc) =	sbr.rel @p1 .LBB2_17-.Ltmp13, $3  }
0xe1: {  	_ =	sdelay $0x1  }
0xe2: {  	s8 =	sadd.s32 $0x10, s8;
	[tilespmem:v8+s29+$0x0] =	vst.idx.msk vm1, v7  }
0xe3: {  	s9 =	sadd.s32 $0xFFFFFFFF, s9;
	v7 =	vld [tilespmem:s8+$0x0]  }
.LBB2_18:
0xe4: {  	_ = 	snop  }
0xe5: {  	s5 =	sadd.s32 @p0 $0x10, s5  }
0xe6: {  	s4 =	smov.u32 @p0 s5  }
0xe7: {  	v8 =	vor.u32 s4, v0  }
0xe8: {  	vm1 =	vlt.s32 v8, v6;
	v6 =	vsub.s32 v7, v2  }
0xe9: {  	v6 =	vnsel vm1, $0x0, v6;
	_ =	sdelay $0x4  }
0xea: {  	v7 =	vnsel vm1, $0x0, v8;
	v6 =	vld.idx.msk [tilespmem:v6+s22+$0x0], vm1;
	_ =	sdelay $0x4  }
0xeb: {  	[tilespmem:v7+s29+$0x0] =	vst.idx.msk vm1, v6  }
.LBB2_19:
0xec: {  	p0 =	slt.s32 s3, $0x1  }
0xed: {  	s4 =	simm.s32 @!p0 $0xBA18  }
0xee: {  	v6 =	vld.msk @!p0 [tilespmem:s4+$0x0], $0xffff;
	_ =	sdelay $0x4  }
0xef: {  	v7 =	vsub.s32 @!p0 v6, v2  }
0xf0: {  	v8 =	vlaneseq.u32 @!p0;
	s4 =	sadd.s32 $0x8000007F, s1  }
0xf1: {  	v9 =	vadd.s32 @!p0 s3, v8;
	s5 =	sand.u32 @!p0 $0xFFFFFF80, s4  }
0xf2: {  	s3 =	sadd.s32 @!p0 $0x80000010, s1;
	vm1 =	vlt.s32 @!p0 v9, s5  }
0xf3: {  	s8 =	simm.s32 @!p0 $0x4000;
	v10 =	vadd.s32 @!p0 s3, v8;
	v9 =	vnsel @!p0 vm1, $0x0, v9  }
0xf4: {  	s3 =	sadd.s32 @!p0 $0x80000020, s1;
	vm2 =	vlt.s32 @!p0 v10, s5;
	v7 =	vld.idx.msk @!p0 [tilespmem:v7+s8+$0x0], $0xffff  }
0xf5: {  	v11 =	vadd.s32 @!p0 s3, v8;
	v10 =	vnsel @!p0 vm2, $0x0, v10  }
0xf6: {  	s3 =	sadd.s32 @!p0 $0x80000030, s1;
	vm3 =	vlt.s32 @!p0 v11, s5  }
0xf7: {  	v12 =	vadd.s32 @!p0 s3, v8;
	v11 =	vnsel @!p0 vm3, $0x0, v11;
	s8 =	simm.s32 @!p0 $0xFA18  }
0xf8: {  	s9 =	sadd.s32 @!p0 $0x80000040, s1;
	s3 =	simm.s32 @!p0 $0x13A18;
	vm4 =	vlt.s32 @!p0 v12, s5;
	[tilespmem:v9+s8+$0x0] =	vst.idx.msk @!p0 vm1, v6  }
0xf9: {  	[tilespmem:v9+s3+$0x0] =	vst.idx.msk @!p0 vm1, v7;
	v9 =	vnsel @!p0 vm4, $0x0, v12;
	v12 =	vadd.s32 @!p0 s9, v8  }
0xfa: {  	s9 =	sadd.s32 @!p0 $0x80000050, s1;
	[tilespmem:v10+s8+$0x0] =	vst.idx.msk @!p0 vm2, v6;
	vm1 =	vlt.s32 @!p0 v12, s5  }
0xfb: {  	[tilespmem:v10+s3+$0x0] =	vst.idx.msk @!p0 vm2, v7;
	v10 =	vnsel @!p0 vm1, $0x0, v12;
	v12 =	vadd.s32 @!p0 s9, v8  }
0xfc: {  	s9 =	sadd.s32 @!p0 $0x80000060, s1;
	[tilespmem:v11+s8+$0x0] =	vst.idx.msk @!p0 vm3, v6;
	vm2 =	vlt.s32 @!p0 v12, s5  }
0xfd: {  	[tilespmem:v11+s3+$0x0] =	vst.idx.msk @!p0 vm3, v7;
	v11 =	vnsel @!p0 vm2, $0x0, v12;
	v12 =	vadd.s32 @!p0 s9, v8  }
0xfe: {  	s1 =	sadd.s32 @!p0 $0x80000070, s1;
	[tilespmem:v9+s8+$0x0] =	vst.idx.msk @!p0 vm4, v6;
	vm3 =	vlt.s32 @!p0 v12, s5  }
0xff: {  	v8 =	vadd.s32 @!p0 s1, v8;
	[tilespmem:v9+s3+$0x0] =	vst.idx.msk @!p0 vm4, v7;
	v9 =	vnsel @!p0 vm3, $0x0, v12  }
0x100: {  	vm4 =	vlt.s32 @!p0 v8, s5;
	[tilespmem:v10+s8+$0x0] =	vst.idx.msk @!p0 vm1, v6  }
0x101: {  	s4 =	sshra.s32 s4, $0x7;
	v8 =	vnsel @!p0 vm4, $0x0, v8;
	[tilespmem:v10+s3+$0x0] =	vst.idx.msk @!p0 vm1, v7  }
0x102: {  	p1 =	slt.s32 s4, $0x1;
	[tilespmem:v11+s8+$0x0] =	vst.idx.msk @!p0 vm2, v6  }
.Ltmp14:
0x103: {  	[tilespmem:v11+s3+$0x0] =	vst.idx.msk @!p0 vm2, v7;
	(pc) =	sbr.rel @p1 .LBB2_23-.Ltmp14, $4  }
0x104: {  	[tilespmem:v9+s8+$0x0] =	vst.idx.msk @!p0 vm3, v6  }
0x105: {  	[tilespmem:v9+s3+$0x0] =	vst.idx.msk @!p0 vm3, v7  }
0x106: {  	[tilespmem:v8+s8+$0x0] =	vst.idx.msk @!p0 vm4, v6  }
0x107: {  	[tilespmem:v8+s3+$0x0] =	vst.idx.msk @!p0 vm4, v7;
	s3 =	rddreg [dreg:$0xd]  }
0x108: {  	s1 =	simm.s32 $0x13A18  }
0x109: {  	[tilespmem:s31], [sflag:$0x5] =	stream.indirect.gather [hbm4b:s2+s30], $0x40, s1, s30, $0xb8;
	[tilespmem:$0x1D8A8] =	vst v63  }
0x10a: {  	p0 =	sne.s32 s4, $0x1;
	_ =	swait.ge [sflag:s0], $0x2000  }
.Ltmp15:
0x10b: {  	[sflag:s0] =	ssyncset.done $0x0;
	(pc) =	sbr.rel @!p0 .LBB2_22-.Ltmp15, $4  }
0x10c: {  	s3 =	simm.s32 $0xFA18;
	[sflag:s0] =	ssyncadd.s32 $0xFFFFE000  }
0x10d: {  	[hbm4b:s6+s30] =	stream.indirect.scatter [tilespmem:s31], [sflag:$0x5], $0x40, s3, s30, $0xb8;
	[tilespmem:$0x1D8A8] =	vst v63  }
0x10e: {  	_ =	swait.ge [sflag:s0], $0x2000  }
0x10f: {  	s4 =	sadd.s32 $0xFFFFFFFF, s4;
	[sflag:s0] =	ssyncset.done $0x0  }
.LBB2_21:
0x110: {  	[sflag:s0] =	ssyncadd.s32 $0xFFFFE000;
	s1 =	sadd.s32 $0x80, s1;
	s3 =	sadd.s32 $0x80, s3  }
0x111: {  	[tilespmem:s31], [sflag:$0x5] =	stream.indirect.gather [hbm4b:s2+s30], $0x40, s1, s30, $0xb8;
	[tilespmem:$0x1D8A8] =	vst v63  }
0x112: {  	p0 =	sne.s32 s4, $0x1;
	s4 =	sadd.s32 $0xFFFFFFFF, s4;
	_ =	swait.ge [sflag:s0], $0x2000  }
.Ltmp16:
0x113: {  	[sflag:s0] =	ssyncset.done $0x0;
	(pc) =	sbr.rel @p0 .LBB2_21-.Ltmp16, $4  }
0x114: {  	[sflag:s0] =	ssyncadd.s32 $0xFFFFE000  }
0x115: {  	[hbm4b:s6+s30] =	stream.indirect.scatter [tilespmem:s31], [sflag:$0x5], $0x40, s3, s30, $0xb8;
	[tilespmem:$0x1D8A8] =	vst v63  }
0x116: {  	_ =	swait.ge [sflag:s0], $0x2000  }
0x117: {  	[sflag:s0] =	ssyncset.done $0x0  }
.Ltmp17:
0x118: {  	_ = 	snop;
	(pc) =	sbr.rel .LBB2_22-.Ltmp17, $1  }
0x119: {  	_ =	sdelay $0x3  }
.LBB2_14:
.Ltmp18:
0x11a: {  	(pc) =	sbr.rel .LBB2_18-.Ltmp18, $2  }
0x11b: {  	_ =	sdelay $0x2  }
0x11c: {  	s5 =	simm.s32 $0x0  }
.LBB2_16:
.Ltmp19:
0x11d: {  	(pc) =	sbr.rel .LBB2_18-.Ltmp19, $2  }
0x11e: {  	_ =	sdelay $0x2  }
0x11f: {  	s5 =	simm.s32 $0x0  }
.LBB2_24:
0x120: {  	_ =	sfence.sel $0x180000  }
0x121: {  	[bflag:$0x0] =	sbarrier.arrive $0xFFFF  }
0x122: {  	_ =	strace $0x9000004A  }
0x123: {  	s0 =	stileid.u32;
	[bflag:$0x2] =	sbarrier.arrive $0xFFFF  }
0x124: {  	p0 =	sne.s32 s0, $0x0;
	s0 =	rddreg [dreg:$0x6]  }
0x125: {  	s0 =	sadd.s32 @!p0 $0x100000, s0  }
0x126: {  	[sflag:s0] =	ssyncadd.tile.s32 @!p0 $0x1;
	_ =	shalt  }
.Lfunc_end2:
_tile_overlayer_lowered:
.L_overlay_start_2:
0x127: {  	(tag) =	ssettag $0x2  }
0x128: {  	s0 =	rddreg [dreg:$0x0];
	s2 =	stileid.u32  }
0x129: {  	s1 =	rddreg [dreg:$0x1];
	p0 =	sne.s32 s2, $0x0  }
0x12a: {  	s3 =	rddreg [dreg:$0x2];
	[bflag:$0x3] =	sbarrier.arrive $0xFFFF;
	s2 =	simm.s32 @!p0 $0x1C06  }
0x12b: {  	[timem:s3], [sflag:s2] =	dma.local @!p0 [hbm:s0], s1  }
0x12c: {  	s0 =	simm.s32 @!p0 $0x6  }
0x12d: {  	_ =	swait.ge @!p0 [sflag:s0], s1  }
0x12e: {  	s1 =	ssub.s32 @!p0 $0x0, s1;
	[sflag:s0] =	ssyncset.done @!p0 $0x0  }
0x12f: {  	[sflag:s0] =	ssyncadd.s32 @!p0 s1  }
0x130: {  	[bflag:$0x3] =	sbarrier.arrive $0xFFFF  }
0x131: {  	_ =	shalt  }

// kernel: sparse-core-data-format-call.cloned.1.call-start
scs
called_computation_lowered:
.L_overlay_start_0:
0x0: {  	s2 =	sld [smem:$0x3FD9]  }
0x1: {  	s3 =	sld [smem:$0x3FFE];
	_ =	sdelay $0x1  }
0x2: {  	s1 =	srdreg.scid  }
0x3: {  	s0 =	sand.u32 $0x1, s1  }
0x4: {  	s15 =	sshll.u32 s0, $0xA;
	s2 =	sadd.s32 s3, s2  }
0x5: {  	s2 =	sadd.s32 s2, s15  }
0x6: {  	[smem:$0x3FC1] =	sst s2  }
0x7: {  	_ = 	snop  }
0x8: {  	s2 =	sld [smem:$0x3FD0];
	_ =	sdelay $0x2  }
0x9: {  	s16 =	simm.s32 $0xA;
	s4 =	simm.s32 $0x10  }
0xa: {  	[smem:s4], [sflag:s16] =	dma.local [hbm:s2], $0x1  }
0xb: {  	_ =	swait.eq [sflag:s16], $0x1  }
0xc: {  	[sflag:s16] =	ssyncset.done $0x0  }
0xd: {  	[sflag:s16] =	ssyncadd.s32 $0xFFFFFFFF  }
0xe: {  	s17 =	sld [smem:$0x11];
	(tm) =	ssettm $0x1  }
0xf: {  	s18 =	sld [smem:$0x3FFB];
	_ =	sdelay $0x3  }
0x10: {  	_ =	strace s18  }
0x11: {  	s3 =	sld [smem:$0x3FFC];
	_ =	sdelay $0x3  }
0x12: {  	_ =	strace s3  }
0x13: {  	s3 =	sld [smem:$0x3FFD];
	_ =	sdelay $0x3  }
0x14: {  	_ =	strace s3  }
0x15: {  	_ =	strace $0x8FFFFFFF  }
0x16: {  	s19 =	sld [smem:$0x3FDB];
	_ =	sdelay $0x1  }
0x17: {  	s20 =	simm.s32 $_scs_section_size  }
0x18: {  	s5 =	simm.s32 $_size__tile_overlayer_lowered;
	s6 =	simm.s32 $_tile_overlayer_lowered  }
0x19: {  	s23 =	simm.s32 $0x1BFF;
	s22 =	sshll.u32 s6, $0x1;
	s3 =	sadd.s32 s20, s19  }
0x1a: {  	s7 =	simm.s32 $0x0;
	s21 =	sshll.u32 s5, $0x1;
	s5 =	sadd.s32 s22, s3  }
0x1b: {  	[timem:s7], [sflag:s23] =	dma.local [hbm:s5], s21  }
0x1c: {  	_ =	swait.ge [sflag:s23], s21  }
0x1d: {  	s4 =	ssub.s32 $0x0, s21;
	[sflag:s23] =	ssyncset.done $0x0  }
0x1e: {  	[sflag:s23] =	ssyncadd.s32 s4;
	_ =	sdelay $0x1  }
0x1f: {  	s24 =	simm.s32 $0x1B8B  }
0x20: {  	_ =	swait.ge [sflag:s24], $0x1  }
0x21: {  	[sflag:s24] =	ssyncset.done $0x0  }
0x22: {  	s26 =	simm.s32 $0x1B8E;
	s25 =	sld [smem:$0x3FFE];
	[sflag:s24] =	ssyncadd.s32 $0xFFFFFFFF  }
0x23: {  	s27 =	simm.s32 $execute0_lowered;
	[smem:$0x3FD2] =	sst s26  }
0x24: {  	s5 =	sshll.u32 s27, $0x1;
	_ =	strace $0x8000004C;
	[dreg:$0x1] =	wrdreg $0xFFFFFFFF  }
0x25: {  	s28 =	simm.s32 $_size_execute0_lowered;
	s3 =	sadd.s32 s3, s5;
	[dreg:$0x0] =	wrdreg $0x0  }
0x26: {  	s5 =	sshll.u32 s28, $0x1;
	[dreg:$0x2] =	wrdreg s3  }
0x27: {  	[dreg:$0x3] =	wrdreg s5  }
0x28: {  	[dreg:$0x4] =	wrdreg $0xC0  }
0x29: {  	_ =	task [dreg:s7], $0x5FFFF  }
0x2a: {  	[dreg:$0x1] =	wrdreg $0xFFFFFFFF  }
0x2b: {  	[dreg:$0x0] =	wrdreg $0x60  }
0x2c: {  	[dreg:$0x2] =	wrdreg s25  }
0x2d: {  	[dreg:$0x3] =	wrdreg s17  }
0x2e: {  	[dreg:$0x4] =	wrdreg $0x9  }
0x2f: {  	_ =	task.clear_ibuf [dreg:s7], $0x5FFFF;
	_ =	strace $0x9000004C  }
0x30: {  	s29 =	simm.s32 $0x9;
	_ =	strace $0x8000004E  }
0x31: {  	_ =	swait.ge [sflag:s29], $0x1  }
0x32: {  	[sflag:s29] =	ssyncadd.s32 $0xFFFFFFFF  }
0x33: {  	_ =	strace $0x9000004E  }
0x34: {  	_ =	sfence  }
0x35: {  	s30 =	sld [smem:$0x0];
	_ =	sdelay $0x2  }
0x36: {  	s31 =	sshll.u32 s1, $0xD;
	s1 =	sshrl.u32 s1, $0x2  }
0x37: {  	s3 =	sand.u32 $0x4000, s31;
	s1 =	sadd.s32 s1, s30  }
0x38: {  	s0 =	sor.u32 s3, s0;
	s1 =	sshll.u32 s1, $0x11  }
0x39: {  	s0 =	sor.u32 s1, s0  }
0x3a: {  	s0 =	sadd.s32 $0x8F2B, s0  }
0x3b: {  	[sflag:s0] =	ssyncadd.remote.s32 $0x1  }
0x3c: {  	_ =	sfence.sel $0xFFFF  }
0x3d: {  	[dreg:$0x0] =	wrdreg $0xFFFFFFFF;
	(pc) =	sbr.abs _section_cstart, $3  }
0x3e: {  	[dreg:$0x1] =	wrdreg $0xFFFFFFFF  }
0x3f: {  	_ =	task.clear_ibuf [dreg:s7], $0x2FFFF;
	_ =	strace $0x9FFFFFFF  }
0x40: {  	(tm) =	ssettm $0x7FFFFFFF  }
0x41: {  	_ =	shalt  }
tec
execute0_lowered:
.L_overlay_start_1:
0x0: {  	(tag) =	ssettag $0x1  }
0x1: {  	s4 =	rddreg [dreg:$0x0]  }
0x2: {  	s0 =	srdreg.scid;
	s2 =	rddreg [dreg:$0x1]  }
0x3: {  	s1 =	stileid.u32;
	s5 =	simm.s32 $0x1;
	s0 =	sshll.u32 s0, $0x4  }
0x4: {  	s7 =	simm.s32 $0x2;
	s11 =	simm.s32 $0x0;
	s3 =	sand.u32 $0x10, s0  }
.Ltmp0:
0x5: {  	p0 =	por $0x0, $0x0;
	s3 =	sor.u32 s1, s3;
	(pc) =	sbr.rel .LBB1_1-.Ltmp0, $4  }
0x6: {  	s8 =	simm.s32 $0x7A1400;
	s10 =	simm.s32 $0x0;
	s3 =	sshll.u32 s3, $0x7  }
0x7: {  	s0 =	rddreg [dreg:$0x2];
	_ =	strace $0x8000004D;
	s6 =	ssub.s32 $0xF4200, s3  }
0x8: {  	s4 =	sadd.s32 $0x7E2A00, s4;
	[sflag:s5] =	ssyncpa.u1 $0x0;
	s6 =	sshrl.u32 s6, $0xC  }
0x9: {  	[sflag:s7] =	ssyncpa.u1 $0x0;
	s9 =	smov.u32 s3;
	s7 =	sadd.s32 $0x2, s6  }
.LBB1_5:
0xa: {  	s13 =	sadd.s32 $0x1000, s9  }
0xb: {  	p2 =	sgt.s32 s13, $0xF423F  }
0xc: {  	s13 =	smov.u32 @p2 s3;
	p2 =	sne.s32 s10, s7  }
.Ltmp1:
0xd: {  	p1 =	slt.u32 s10, $0x2;
	(pc) =	sbr.rel @!p2 .LBB1_6-.Ltmp1, $4  }
0xe: {  	s12 =	simm.s32 @!p1 $0x2  }
0xf: {  	s14 =	sadd.s32 $0x1, s10;
	_ =	swait.ge @!p1 [sflag:s12], $0x2000  }
0x10: {  	s11 =	smov.u32 s9;
	p0 =	por !p0, !p0;
	[sflag:s12] =	ssyncset.done @!p1 $0x0  }
0x11: {  	s10 =	smov.u32 s14;
	s9 =	smov.u32 s13;
	[sflag:s12] =	ssyncadd.s32 @!p1 $0xFFFFE000  }
.LBB1_1:
0x12: {  	p1 =	sgt.u32 s10, s6  }
0x13: {  	s13 =	smov.u32 s9;
	p2 =	sgt.s32 @!p1 s9, $0xF41C0  }
0x14: {  	s12 =	sand.u32 @!p1 $0x1FFFFFF, s9;
	s14 =	sshra.s32 @!p1 s9, $0x1F;
	p2 =	por !p2, p1  }
0x15: {  	s15 =	smulhi.u32 @!p1 $0x218DEF5, s12;
	s14 =	sand.u32 @!p1 s14, s9;
	s13 =	simm.s32 @p2 $0xF41C0  }
0x16: {  	s13 =	ssub.s32 @!p1 s13, s14  }
0x17: {  	s14 =	sshrl.u32 @!p1 s15, $0xD;
	s13 =	sadd.s32 @!p1 $0xFFF0BE40, s13  }
0x18: {  	s15 =	sxor.u32 @!p1 $0xFFFFFFFF, s10;
	s14 =	smul.u32 @!p1 $0xF4240, s14;
	s16 =	sshll.u32 @!p1 s13, $0x8  }
0x19: {  	s15 =	sshll.u32 @!p1 s15, $0xD;
	p2 =	sgt.s32 @!p1 s13, $0x7F;
	s13 =	ssub.s32 @!p1 $0x8000, s16  }
0x1a: {  	s12 =	ssub.s32 @!p1 s12, s14;
	p2 =	por !p2, p1;
	s14 =	sand.u32 @!p1 $0x2000, s15  }
0x1b: {  	s15 =	simm.s32 @!p1 $0x40;
	s13 =	sshrl.u32 @!p1 s13, $0x2;
	s12 =	sshll.u32 @!p1 s12, $0x4  }
0x1c: {  	s16 =	simm.s32 @!p1 $0x80;
	s13 =	simm.s32 @!p2 $0x0;
	s12 =	sadd.s32 @!p1 s4, s12  }
0x1d: {  	[tilespmem:s14], [sflag:$0x1] =	stream.strided.gather @!p1 [hbm4b:s12+s15], s13, s16, s15, $0x38;
	[tilespmem:$0x8080] =	vst v63  }
0x1e: {  	p1 =	seq.s32 s10, $0x0  }
0x1f: {  	p2 =	sge.u32 @!p1 s10, s7  }
0x20: {  	p1 =	por p1, p2  }
.Ltmp2:
0x21: {  	_ = 	snop;
	(pc) =	sbr.rel @p1 .LBB1_5-.Ltmp2, $1  }
0x22: {  	_ =	sdelay $0x3  }
0x23: {  	p1 =	sgt.s32 s11, $0xF41C0;
	s12 =	smov.u32 s11;
	s13 =	sshra.s32 s11, $0x1F  }
0x24: {  	s12 =	simm.s32 @!p1 $0xF41C0;
	s13 =	sand.u32 s13, s11  }
0x25: {  	s12 =	ssub.s32 s12, s13  }
0x26: {  	s12 =	sadd.s32 $0xFFF0BE40, s12  }
0x27: {  	s28 =	sshll.u32 s12, $0x8  }
0x28: {  	s13 =	ssub.s32 $0x8000, s28  }
0x29: {  	p1 =	sgt.s32 s12, $0x7F;
	s12 =	sshrl.u32 s13, $0x2  }
0x2a: {  	s13 =	simm.s32 $0x1;
	s12 =	simm.s32 @p1 $0x0  }
0x2b: {  	s13 =	simm.s32 @!p0 $0x0;
	_ =	swait.ge [sflag:s5], s12  }
0x2c: {  	s14 =	sshll.u32 s13, $0xD;
	s12 =	ssub.s32 $0x0, s12;
	[sflag:s5] =	ssyncset.done $0x0  }
0x2d: {  	s16 =	sor.u32 $0x20, s14;
	[sflag:s5] =	ssyncadd.s32 s12  }
0x2e: {  	s29 =	smul.u32 $0x8100, s13;
	v3 =	vld [tilespmem:s16+$0x10]  }
0x2f: {  	s30 =	sand.u32 $0x1, s10;
	v2 =	vld [tilespmem:s16+$0xFFFFFFF0]  }
0x30: {  	s13 =	smul.u32 $0x8100, s30;
	s12 =	sshrl.u32 s29, $0x2;
	v0 =	vld [tilespmem:s16+$0x0]  }
0x31: {  	s14 =	sor.u32 $0x4000, s12;
	v1 =	vld [tilespmem:s16+$0xFFFFFFE0]  }
0x32: {  	s31 =	sshrl.u32 s13, $0x2;
	s13 =	sadd.s32 $0x0, s14  }
0x33: {  	s15 =	simm.s32 $0x4;
	s12 =	sor.u32 $0x4000, s31;
	s16 =	sadd.s32 $0x40, s16;
	[tilespmem:s13+$0x1830 ss:$0x81] =	vst.msk $0xffff, v3  }
.LBB1_3:
0x34: {  	v3 =	vld [tilespmem:s16+$0x10];
	p1 =	sne.s32 s15, $0x1FC;
	[tilespmem:s13+$0x810 ss:$0x81] =	vst.msk $0xffff, v2;
	s17 =	smov.u32 s15;
	s15 =	sadd.s32 $0x4, s15  }
.Ltmp3:
0x35: {  	v2 =	vld [tilespmem:s16+$0xFFFFFFF0];
	[tilespmem:s13+$0x1020 ss:$0x81] =	vst.msk $0xffff, v0;
	(pc) =	sbr.rel @p1 .LBB1_3-.Ltmp3, $4  }
0x36: {  	v0 =	vld [tilespmem:s16+$0x0];
	[tilespmem:s13+$0x0 ss:$0x81] =	vst.msk $0xffff, v1  }
0x37: {  	s13 =	sshra.s32 s17, $0x2;
	v1 =	vld [tilespmem:s16+$0xFFFFFFE0]  }
0x38: {  	s13 =	sadd.s32 s13, s14  }
0x39: {  	s16 =	sadd.s32 $0x40, s16;
	[tilespmem:s13+$0x1830 ss:$0x81] =	vst.msk $0xffff, v3  }
0x3a: {  	s14 =	sshll.u32 s11, $0x3  }
0x3b: {  	s30 =	sand.u32 $0x7F, s11;
	s14 =	sand.u32 $0xFFFFFC00, s14  }
0x3c: {  	s11 =	sor.u32 s30, s14  }
0x3d: {  	s15 =	smulhi.u32 $0x218D6287, s11;
	_ =	sdelay $0x1  }
0x3e: {  	s14 =	smulhi.u32 $0x218D6287, s14;
	s15 =	sshrl.u32 s15, $0x11  }
0x3f: {  	s15 =	smul.u32 $0xF4280, s15  }
0x40: {  	s14 =	sshrl.u32 s14, $0x11  }
.Ltmp4:
0x41: {  	s14 =	sand.u32 $0x3F, s14;
	s11 =	ssub.s32 s11, s15;
	(pc) =	sbr.rel .LBB1_5-.Ltmp4, $4  }
0x42: {  	[tilespmem:s13+$0x810 ss:$0x81] =	vst.msk $0xffff, v2;
	s14 =	smul.u32 $0x1E850, s14;
	s15 =	sshrl.u32 s11, $0x3;
	s11 =	sand.u32 $0x7, s11  }
0x43: {  	[tilespmem:s13+$0x1020 ss:$0x81] =	vst.msk $0xffff, v0;
	s15 =	sadd.s32 s2, s15;
	s11 =	sshll.u32 s11, $0x12  }
0x44: {  	[tilespmem:s13+$0x0 ss:$0x81] =	vst.msk $0xffff, v1;
	s31 =	sadd.s32 s14, s15;
	s11 =	sor.u32 $0x400, s11  }
0x45: {  	[hbm4b:s31+s11] =	stream.strided.scatter [tilespmem:s12], [sflag:$0x2], $0x2000, s8, s11, $0x20;
	[tilespmem:$0x8080] =	vst v63  }
.LBB1_6:
0x46: {  	_ =	sfence.sel $0x180000  }
0x47: {  	s2 =	simm.s32 $0x1;
	[bflag:$0x0] =	sbarrier.arrive $0xFFFF  }
0x48: {  	s31 =	simm.s32 $0x2;
	[sflag:s2] =	ssyncpa.u1 $0x1  }
0x49: {  	[sflag:s31] =	ssyncpa.u1 $0x1  }
0x4a: {  	p0 =	sne.s32 s1, $0x0;
	_ =	strace $0x9000004D  }
0x4b: {  	s0 =	sadd.s32 @!p0 $0x100000, s0;
	[bflag:$0x2] =	sbarrier.arrive $0xFFFF  }
0x4c: {  	[sflag:s0] =	ssyncadd.tile.s32 @!p0 $0x1;
	_ =	shalt  }
.Lfunc_end1:
_tile_overlayer_lowered:
.L_overlay_start_2:
0x4d: {  	(tag) =	ssettag $0x2  }
0x4e: {  	s0 =	rddreg [dreg:$0x0];
	s2 =	stileid.u32  }
0x4f: {  	s1 =	rddreg [dreg:$0x1];
	p0 =	sne.s32 s2, $0x0  }
0x50: {  	s3 =	rddreg [dreg:$0x2];
	[bflag:$0x3] =	sbarrier.arrive $0xFFFF;
	s2 =	simm.s32 @!p0 $0x1C01  }
0x51: {  	[timem:s3], [sflag:s2] =	dma.local @!p0 [hbm:s0], s1  }
0x52: {  	s0 =	simm.s32 @!p0 $0x1  }
0x53: {  	_ =	swait.ge @!p0 [sflag:s0], s1  }
0x54: {  	s1 =	ssub.s32 @!p0 $0x0, s1;
	[sflag:s0] =	ssyncset.done @!p0 $0x0  }
0x55: {  	[sflag:s0] =	ssyncadd.s32 @!p0 s1  }
0x56: {  	[bflag:$0x3] =	sbarrier.arrive $0xFFFF  }
0x57: {  	_ =	shalt  }

</sc_bundles>
